<compile_context>
chip_gen: v7x
topology: tpu7x:2x2x1
jax: 0.10.2.dev20260603
libtpu: 0.0.44.dev20260713+nightly
codegen_flags: <defaults>
</compile_context>

<pallas_src>
import functools

import jax
import jax.numpy as jnp
from jax import lax
from jax.experimental import pallas as pl
from jax.experimental.pallas import tpu as pltpu
from jax.experimental.pallas import tpu_sc as plsc

N = 8192
L = 16
NC = 2
NS = 16
NW = NC * NS
PW = N // NW

ST = 2048
SC_NJB = ST // L
TCN = N - ST
RB = 2048
CB = 1024
NRB = N // RB
NCB = TCN // CB

_mesh = plsc.VectorSubcoreMesh(
    core_axis_name="c", subcore_axis_name="s", num_cores=NC, num_subcores=NS
)


def _split3(x):
    hi = x.astype(jnp.bfloat16)
    r1 = x - hi.astype(jnp.float32)
    mid = r1.astype(jnp.bfloat16)
    lo = (r1 - mid.astype(jnp.float32)).astype(jnp.bfloat16)
    return hi, mid, lo


def _prepass_body(predT_ref, targetT_ref, pm2_ref, ttr_ref, pn_ref, tn_ref,
                  a1_ref, b1_ref, a2_ref, b2_ref):
    p = predT_ref[...]
    t = targetT_ref[...]
    pr = p.astype(jnp.bfloat16)
    tr = t.astype(jnp.bfloat16)
    pm2_ref[...] = pr.astype(jnp.float32) * -2.0
    ttr_ref[...] = tr.astype(jnp.float32)
    pn = jnp.sum(p * p, axis=0, keepdims=True)
    tn = jnp.sum(t * t, axis=0, keepdims=True)
    pn_ref[...] = pn
    tn_ref[...] = tn
    ones = jnp.ones((3, N), jnp.bfloat16)
    zpad = jnp.zeros((2, N), jnp.bfloat16)
    pnh, pnm, pnl = _split3(pn)
    tnh, tnm, tnl = _split3(tn)
    a1_ref[...] = jnp.concatenate([pr, ones, zpad], axis=0).T
    b1_ref[...] = jnp.concatenate(
        [tr * -2.0, tnh, tnm, tnl, zpad], axis=0).T
    a2_ref[...] = jnp.concatenate(
        [pr * -2.0, pnh, pnm, pnl, zpad], axis=0).T
    b2_ref[...] = jnp.concatenate([tr, ones, zpad], axis=0).T


def _build_sc_chamfer(interpret=False):
    return functools.partial(
        pl.kernel,
        out_type=[
            jax.ShapeDtypeStruct((N, L), jnp.float32),
            jax.ShapeDtypeStruct((NW, ST), jnp.float32),
        ],
        mesh=_mesh,
        interpret=interpret,
        scratch_types=[
            pltpu.VMEM((3, PW), jnp.float32),
            pltpu.VMEM((3, ST), jnp.float32),
            pltpu.VMEM((PW,), jnp.float32),
            pltpu.VMEM((ST,), jnp.float32),
            pltpu.VMEM((PW, L), jnp.float32),
            pltpu.VMEM((ST,), jnp.float32),
            pltpu.SMEM((4, PW), jnp.float32),
        ],
    )(_sc_chamfer_body)


def _sc_chamfer_body(pm2T_hbm, ttrT_hbm, pnrow_hbm, tnrow_hbm,
                     rowpart_hbm, colpart_hbm,
                     pm2, ttr, pn, tn, rowpart, colpart, psm):
    wid = lax.axis_index("s") * NC + lax.axis_index("c")
    base = wid * PW

    pltpu.sync_copy(pm2T_hbm.at[:, pl.ds(base, PW)], pm2)
    pltpu.sync_copy(ttrT_hbm.at[:, pl.ds(0, ST)], ttr)
    pltpu.sync_copy(pnrow_hbm.at[0, pl.ds(base, PW)], pn)
    pltpu.sync_copy(tnrow_hbm.at[0, pl.ds(0, ST)], tn)

    inf_v = jnp.full((L,), jnp.inf, jnp.float32)

    def stage_body(g, _):
        psl = pl.ds(g * L, L)
        vx = pm2[0, psl]
        vy = pm2[1, psl]
        vz = pm2[2, psl]
        vn = pn[psl]
        for u in range(L):
            psm[0, g * L + u] = vx[u]
            psm[1, g * L + u] = vy[u]
            psm[2, g * L + u] = vz[u]
            psm[3, g * L + u] = vn[u]
        return 0

    lax.fori_loop(0, PW // L, stage_body, 0)

    def init_body(i, _):
        rowpart[i, :] = inf_v
        return 0

    lax.fori_loop(0, PW, init_body, 0)

    def jb_body(jb, _):
        sl = pl.ds(jb * L, L)
        tx = ttr[0, sl]
        ty = ttr[1, sl]
        tz = ttr[2, sl]
        tnv = tn[sl]

        def i_body(i, cmin):
            d2 = (tnv + psm[3, i]) + (tx * psm[0, i] + ty * psm[1, i]
                                      + tz * psm[2, i])
            cmin = jnp.minimum(cmin, d2)
            rowpart[i, :] = jnp.minimum(rowpart[i, :], d2)
            return cmin

        cmin = lax.fori_loop(0, PW, i_body, inf_v, unroll=8)
        colpart[sl] = cmin
        return 0

    lax.fori_loop(0, SC_NJB, jb_body, 0)

    pltpu.sync_copy(rowpart, rowpart_hbm.at[pl.ds(base, PW)])
    pltpu.sync_copy(colpart, colpart_hbm.at[wid])


_sc_chamfer = _build_sc_chamfer()


def _tc_main_body(a1_ref, b1_ref, a2_ref, b2_ref, rowp_ref, colp_ref):
    c = pl.program_id(1)
    m1 = lax.dot_general(a1_ref[...], b1_ref[...],
                         (((1,), (1,)), ((), ())),
                         preferred_element_type=jnp.float32)
    m2 = lax.dot_general(a2_ref[...], b2_ref[...],
                         (((1,), (1,)), ((), ())),
                         preferred_element_type=jnp.float32)
    rmin = m1[:, 0:128]
    for k in range(1, CB // 128):
        rmin = jnp.minimum(rmin, m1[:, k * 128:(k + 1) * 128])

    @pl.when(c == 0)
    def _():
        rowp_ref[...] = rmin

    @pl.when(c > 0)
    def _():
        rowp_ref[...] = jnp.minimum(rowp_ref[...], rmin)

    colp_ref[0, 0, :] = jnp.min(m2, axis=0)


def _tc_epilogue_body(rsc_ref, csc_ref, rtc_ref, ctc_ref, pn_ref, tn_ref,
                      out_ref):
    pn = pn_ref[0, :]
    tn = tn_ref[0, :]
    rm2 = jnp.minimum(jnp.min(rsc_ref[...], axis=1),
                      jnp.min(rtc_ref[...], axis=1) + pn)
    cm2_sc = jnp.min(csc_ref[...], axis=0)
    cm2_tc = jnp.min(ctc_ref[...], axis=0) + tn[ST:]
    fwd = jnp.mean(jnp.sqrt(jnp.maximum(rm2, 0.0) + 1e-12))
    bwd = (jnp.sum(jnp.sqrt(jnp.maximum(cm2_sc, 0.0) + 1e-12))
           + jnp.sum(jnp.sqrt(jnp.maximum(cm2_tc, 0.0) + 1e-12))) / N
    out_ref[0, 0] = (fwd + bwd) * 0.5


def kernel(pred, target):
    predT = pred.astype(jnp.float32).T
    targetT = target.astype(jnp.float32).T
    pm2T, ttrT, pnrow, tnrow, a1, b1, a2, b2 = pl.pallas_call(
        _prepass_body,
        out_shape=[
            jax.ShapeDtypeStruct((3, N), jnp.float32),
            jax.ShapeDtypeStruct((3, N), jnp.float32),
            jax.ShapeDtypeStruct((1, N), jnp.float32),
            jax.ShapeDtypeStruct((1, N), jnp.float32),
            jax.ShapeDtypeStruct((N, 8), jnp.bfloat16),
            jax.ShapeDtypeStruct((N, 8), jnp.bfloat16),
            jax.ShapeDtypeStruct((N, 8), jnp.bfloat16),
            jax.ShapeDtypeStruct((N, 8), jnp.bfloat16),
        ],
    )(predT, targetT)

    rowpart_sc, colpart_sc = _sc_chamfer(pm2T, ttrT, pnrow, tnrow)

    b1_tc = b1[ST:, :]
    b2_tc = b2[ST:, :]
    rowpart_tc, colpart_tc = pl.pallas_call(
        _tc_main_body,
        grid=(NRB, NCB),
        in_specs=[
            pl.BlockSpec((RB, 8), lambda r, c: (r, 0)),
            pl.BlockSpec((CB, 8), lambda r, c: (c, 0)),
            pl.BlockSpec((RB, 8), lambda r, c: (r, 0)),
            pl.BlockSpec((CB, 8), lambda r, c: (c, 0)),
        ],
        out_specs=[
            pl.BlockSpec((RB, 128), lambda r, c: (r, 0)),
            pl.BlockSpec((1, 1, CB), lambda r, c: (r, 0, c)),
        ],
        out_shape=[
            jax.ShapeDtypeStruct((N, 128), jnp.float32),
            jax.ShapeDtypeStruct((NRB, 1, TCN), jnp.float32),
        ],
    )(a1, b1_tc, a2, b2_tc)
    colpart_tc = colpart_tc.reshape(NRB, TCN)

    out = pl.pallas_call(
        _tc_epilogue_body,
        out_shape=jax.ShapeDtypeStruct((1, 1), jnp.float32),
        out_specs=pl.BlockSpec(memory_space=pltpu.SMEM),
    )(rowpart_sc, colpart_sc, rowpart_tc, colpart_tc, pnrow, tnrow)
    return out[0, 0]

# --- scband reference (transcript-rebuilt; emitter-appended) ---
"""Pipeline reference for scband-chamfer-loss-86887188398388 (READ-ONLY COPY).

The authoritative reference and input builder live on the scoring server;
editing this copy changes nothing except your own understanding.
"""

import jax, jax.numpy as jnp
import numpy as np


def setup_inputs(seed: int = 0) -> dict:
    key = jax.random.key(seed)
    k1, k2 = jax.random.split(key)
    pred = jax.random.normal(k1, (8192, 3), dtype=jnp.float32)
    target = jax.random.normal(k2, (8192, 3), dtype=jnp.float32)
    return {"pred": pred, "target": target}


def reference(pred, target):
    # torch.cdist(pred, target, p=2) via the expansion ||a||^2 + ||b||^2 - 2 a.b
    pred = pred.astype(jnp.float32)
    target = target.astype(jnp.float32)
    pn = jnp.sum(pred * pred, axis=1, keepdims=True)          # [N, 1]
    tn = jnp.sum(target * target, axis=1, keepdims=True)      # [M, 1]
    d2 = pn + tn.T - 2.0 * (pred @ target.T)                  # [N, M]
    dist = jnp.sqrt(jnp.maximum(d2, 0.0) + 1e-12)
    forward_dist = jnp.mean(jnp.min(dist, axis=1))
    backward_dist = jnp.mean(jnp.min(dist, axis=0))
    return (forward_dist + backward_dist) / 2.0

if __name__ == "__main__":
    import jax
    _d = setup_inputs()
    print(jax.jit(kernel)(*tuple(_d.values())))

</pallas_src>

<mosaic_0001>
#map = affine_map<(d0, d1) -> (0, 0)>
module attributes {stable_mosaic.version = 14 : i64} {
  func.func @_sc_chamfer_body(%arg0: i32, %arg1: i32, %arg2: memref<3x8192xf32, #tpu.memory_space<hbm>>, %arg3: memref<3x8192xf32, #tpu.memory_space<hbm>>, %arg4: memref<1x8192xf32, #tpu.memory_space<hbm>>, %arg5: memref<1x8192xf32, #tpu.memory_space<hbm>>, %arg6: memref<8192x16xf32, #tpu.memory_space<hbm>>, %arg7: memref<32x2048xf32, #tpu.memory_space<hbm>>, %arg8: memref<3x256xf32, #tpu.memory_space<vmem>>, %arg9: memref<3x2048xf32, #tpu.memory_space<vmem>>, %arg10: memref<256xf32, #tpu.memory_space<vmem>>, %arg11: memref<2048xf32, #tpu.memory_space<vmem>>, %arg12: memref<256x16xf32, #tpu.memory_space<vmem>>, %arg13: memref<2048xf32, #tpu.memory_space<vmem>>, %arg14: memref<4x256xf32, #tpu.memory_space<smem>>) attributes {dimension_semantics = [#tpu.dimension_semantics<core_parallel>, #tpu.dimension_semantics<subcore_parallel>], iteration_bounds = array<i64: 2, 16>, scalar_prefetch = 0 : i64, scratch_operands = 7 : i64, tpu.core_type = #tpu.core_type<sc_vector_subcore>, window_params = [{transform_indices = #map}, {transform_indices = #map}, {transform_indices = #map}, {transform_indices = #map}, {transform_indices = #map}, {transform_indices = #map}]} {
    %mul3A = arith.constant 2 : i32
    %mul3A_0 = arith.muli %arg1, %mul3A : i32
    %add3A = arith.addi %mul3A_0, %arg0 : i32
    %mul3A_1 = arith.constant 256 : i32
    %mul3A_2 = arith.muli %add3A, %mul3A_1 : i32
    "tpu.region"() ({
      %run_scoped3A_25 = tpu.sem_alloc : memref<!tpu.dma_semaphore, #tpu.memory_space<semaphore_mem>>
      %dma_start3A = arith.constant 0 : i32
      %dma_start3A_26 = tpu.memref_slice %arg2[%dma_start3A, %mul3A_2] : memref<3x8192xf32, #tpu.memory_space<hbm>> -> memref<3x256xf32, #tpu.memory_space<hbm>>
      %dma_start3A_27 = arith.constant 0 : i32
      %dma_start3A_28 = tpu.memref_slice %arg2[%dma_start3A_27, %mul3A_2] : memref<3x8192xf32, #tpu.memory_space<hbm>> -> memref<3x256xf32, #tpu.memory_space<hbm>>
      tpu.enqueue_dma source(%dma_start3A_28 : memref<3x256xf32, #tpu.memory_space<hbm>>) target(%arg8 : memref<3x256xf32, #tpu.memory_space<vmem>>) target_semaphore(%run_scoped3A_25 : memref<!tpu.dma_semaphore, #tpu.memory_space<semaphore_mem>>)
      %dma_wait3A = arith.constant 0 : i32
      %dma_wait3A_29 = tpu.memref_slice %arg2[%dma_wait3A, %mul3A_2] : memref<3x8192xf32, #tpu.memory_space<hbm>> -> memref<3x256xf32, #tpu.memory_space<hbm>>
      %dma_wait3A_30 = arith.constant 0 : i32
      %dma_wait3A_31 = tpu.memref_slice %arg2[%dma_wait3A_30, %mul3A_2] : memref<3x8192xf32, #tpu.memory_space<hbm>> -> memref<3x256xf32, #tpu.memory_space<hbm>>
      tpu.wait_dma2 semaphore(%run_scoped3A_25 : memref<!tpu.dma_semaphore, #tpu.memory_space<semaphore_mem>>) src(%dma_wait3A_31 : memref<3x256xf32, #tpu.memory_space<hbm>>) dst(%arg8 : memref<3x256xf32, #tpu.memory_space<vmem>>)
      tpu.yield
    }) : () -> ()
    "tpu.region"() ({
      %run_scoped3A_25 = tpu.sem_alloc : memref<!tpu.dma_semaphore, #tpu.memory_space<semaphore_mem>>
      %dma_start3A = arith.constant 0 : i32
      %dma_start3A_26 = arith.constant 0 : i32
      %dma_start3A_27 = tpu.memref_slice %arg3[%dma_start3A, %dma_start3A_26] : memref<3x8192xf32, #tpu.memory_space<hbm>> -> memref<3x2048xf32, #tpu.memory_space<hbm>>
      %dma_start3A_28 = arith.constant 0 : i32
      %dma_start3A_29 = arith.constant 0 : i32
      %dma_start3A_30 = tpu.memref_slice %arg3[%dma_start3A_28, %dma_start3A_29] : memref<3x8192xf32, #tpu.memory_space<hbm>> -> memref<3x2048xf32, #tpu.memory_space<hbm>>
      tpu.enqueue_dma source(%dma_start3A_30 : memref<3x2048xf32, #tpu.memory_space<hbm>>) target(%arg9 : memref<3x2048xf32, #tpu.memory_space<vmem>>) target_semaphore(%run_scoped3A_25 : memref<!tpu.dma_semaphore, #tpu.memory_space<semaphore_mem>>)
      %dma_wait3A = arith.constant 0 : i32
      %dma_wait3A_31 = arith.constant 0 : i32
      %dma_wait3A_32 = tpu.memref_slice %arg3[%dma_wait3A, %dma_wait3A_31] : memref<3x8192xf32, #tpu.memory_space<hbm>> -> memref<3x2048xf32, #tpu.memory_space<hbm>>
      %dma_wait3A_33 = arith.constant 0 : i32
      %dma_wait3A_34 = arith.constant 0 : i32
      %dma_wait3A_35 = tpu.memref_slice %arg3[%dma_wait3A_33, %dma_wait3A_34] : memref<3x8192xf32, #tpu.memory_space<hbm>> -> memref<3x2048xf32, #tpu.memory_space<hbm>>
      tpu.wait_dma2 semaphore(%run_scoped3A_25 : memref<!tpu.dma_semaphore, #tpu.memory_space<semaphore_mem>>) src(%dma_wait3A_35 : memref<3x2048xf32, #tpu.memory_space<hbm>>) dst(%arg9 : memref<3x2048xf32, #tpu.memory_space<vmem>>)
      tpu.yield
    }) : () -> ()
    %run_scoped3A = arith.constant 0 : i32
    "tpu.region"() ({
      %run_scoped3A_25 = tpu.sem_alloc : memref<!tpu.dma_semaphore, #tpu.memory_space<semaphore_mem>>
      %dma_start3A = tpu.memref_slice %arg4[%run_scoped3A, %mul3A_2] : memref<1x8192xf32, #tpu.memory_space<hbm>> -> memref<1x256xf32, #tpu.memory_space<hbm>>
      %dma_start3A_26 = tpu.memref_squeeze %dma_start3A : memref<1x256xf32, #tpu.memory_space<hbm>> -> memref<256xf32, #tpu.memory_space<hbm>>
      %dma_start3A_27 = tpu.memref_slice %arg4[%run_scoped3A, %mul3A_2] : memref<1x8192xf32, #tpu.memory_space<hbm>> -> memref<1x256xf32, #tpu.memory_space<hbm>>
      %dma_start3A_28 = tpu.memref_squeeze %dma_start3A_27 : memref<1x256xf32, #tpu.memory_space<hbm>> -> memref<256xf32, #tpu.memory_space<hbm>>
      tpu.enqueue_dma source(%dma_start3A_28 : memref<256xf32, #tpu.memory_space<hbm>>) target(%arg10 : memref<256xf32, #tpu.memory_space<vmem>>) target_semaphore(%run_scoped3A_25 : memref<!tpu.dma_semaphore, #tpu.memory_space<semaphore_mem>>)
      %dma_wait3A = tpu.memref_slice %arg4[%run_scoped3A, %mul3A_2] : memref<1x8192xf32, #tpu.memory_space<hbm>> -> memref<1x256xf32, #tpu.memory_space<hbm>>
      %dma_wait3A_29 = tpu.memref_squeeze %dma_wait3A : memref<1x256xf32, #tpu.memory_space<hbm>> -> memref<256xf32, #tpu.memory_space<hbm>>
      %dma_wait3A_30 = tpu.memref_slice %arg4[%run_scoped3A, %mul3A_2] : memref<1x8192xf32, #tpu.memory_space<hbm>> -> memref<1x256xf32, #tpu.memory_space<hbm>>
      %dma_wait3A_31 = tpu.memref_squeeze %dma_wait3A_30 : memref<1x256xf32, #tpu.memory_space<hbm>> -> memref<256xf32, #tpu.memory_space<hbm>>
      tpu.wait_dma2 semaphore(%run_scoped3A_25 : memref<!tpu.dma_semaphore, #tpu.memory_space<semaphore_mem>>) src(%dma_wait3A_31 : memref<256xf32, #tpu.memory_space<hbm>>) dst(%arg10 : memref<256xf32, #tpu.memory_space<vmem>>)
      tpu.yield
    }) : () -> ()
    %run_scoped3A_3 = arith.constant 0 : i32
    "tpu.region"() ({
      %run_scoped3A_25 = tpu.sem_alloc : memref<!tpu.dma_semaphore, #tpu.memory_space<semaphore_mem>>
      %dma_start3A = arith.constant 0 : i32
      %dma_start3A_26 = tpu.memref_slice %arg5[%run_scoped3A_3, %dma_start3A] : memref<1x8192xf32, #tpu.memory_space<hbm>> -> memref<1x2048xf32, #tpu.memory_space<hbm>>
      %dma_start3A_27 = tpu.memref_squeeze %dma_start3A_26 : memref<1x2048xf32, #tpu.memory_space<hbm>> -> memref<2048xf32, #tpu.memory_space<hbm>>
      %dma_start3A_28 = arith.constant 0 : i32
      %dma_start3A_29 = tpu.memref_slice %arg5[%run_scoped3A_3, %dma_start3A_28] : memref<1x8192xf32, #tpu.memory_space<hbm>> -> memref<1x2048xf32, #tpu.memory_space<hbm>>
      %dma_start3A_30 = tpu.memref_squeeze %dma_start3A_29 : memref<1x2048xf32, #tpu.memory_space<hbm>> -> memref<2048xf32, #tpu.memory_space<hbm>>
      tpu.enqueue_dma source(%dma_start3A_30 : memref<2048xf32, #tpu.memory_space<hbm>>) target(%arg11 : memref<2048xf32, #tpu.memory_space<vmem>>) target_semaphore(%run_scoped3A_25 : memref<!tpu.dma_semaphore, #tpu.memory_space<semaphore_mem>>)
      %dma_wait3A = arith.constant 0 : i32
      %dma_wait3A_31 = tpu.memref_slice %arg5[%run_scoped3A_3, %dma_wait3A] : memref<1x8192xf32, #tpu.memory_space<hbm>> -> memref<1x2048xf32, #tpu.memory_space<hbm>>
      %dma_wait3A_32 = tpu.memref_squeeze %dma_wait3A_31 : memref<1x2048xf32, #tpu.memory_space<hbm>> -> memref<2048xf32, #tpu.memory_space<hbm>>
      %dma_wait3A_33 = arith.constant 0 : i32
      %dma_wait3A_34 = tpu.memref_slice %arg5[%run_scoped3A_3, %dma_wait3A_33] : memref<1x8192xf32, #tpu.memory_space<hbm>> -> memref<1x2048xf32, #tpu.memory_space<hbm>>
      %dma_wait3A_35 = tpu.memref_squeeze %dma_wait3A_34 : memref<1x2048xf32, #tpu.memory_space<hbm>> -> memref<2048xf32, #tpu.memory_space<hbm>>
      tpu.wait_dma2 semaphore(%run_scoped3A_25 : memref<!tpu.dma_semaphore, #tpu.memory_space<semaphore_mem>>) src(%dma_wait3A_35 : memref<2048xf32, #tpu.memory_space<hbm>>) dst(%arg11 : memref<2048xf32, #tpu.memory_space<vmem>>)
      tpu.yield
    }) : () -> ()
    %broadcast_in_dim3A = arith.constant 0x7F800000 : f32
    %broadcast_in_dim3A_4 = vector.broadcast %broadcast_in_dim3A : f32 to vector<16xf32>
    %scan3A = arith.constant 0 : i32
    %scan3A_5 = arith.constant 0 : i32
    %scan3A_6 = arith.constant 16 : i32
    %scan3A_7 = arith.addi %scan3A_5, %scan3A_6 : i32
    %scan3A_8 = arith.constant 1 : i32
    %scan3A_9 = scf.for %scan3A_25 = %scan3A_5 to %scan3A_7 step %scan3A_8 iter_args(%scan3A_26 = %scan3A) -> (i32)  : i32 {
      %mul3A_27 = arith.constant 16 : i32
      %mul3A_28 = arith.muli %scan3A_25, %mul3A_27 : i32
      %get3A = arith.constant 0 : i32
      %get3A_29 = arith.index_cast %get3A : i32 to index
      %get3A_30 = arith.index_cast %mul3A_28 : i32 to index
      %get3A_31 = tpu.vector_load %arg8[%get3A_29, %get3A_30] {strides = array<i32>} : memref<3x256xf32, #tpu.memory_space<vmem>>, vector<1x16xf32>,
      %get3A_32 = vector.shape_cast %get3A_31 : vector<1x16xf32> to vector<16xf32>
      %get3A_33 = arith.constant 1 : i32
      %get3A_34 = arith.index_cast %get3A_33 : i32 to index
      %get3A_35 = arith.index_cast %mul3A_28 : i32 to index
      %get3A_36 = tpu.vector_load %arg8[%get3A_34, %get3A_35] {strides = array<i32>} : memref<3x256xf32, #tpu.memory_space<vmem>>, vector<1x16xf32>,
      %get3A_37 = vector.shape_cast %get3A_36 : vector<1x16xf32> to vector<16xf32>
      %get3A_38 = arith.constant 2 : i32
      %get3A_39 = arith.index_cast %get3A_38 : i32 to index
      %get3A_40 = arith.index_cast %mul3A_28 : i32 to index
      %get3A_41 = tpu.vector_load %arg8[%get3A_39, %get3A_40] {strides = array<i32>} : memref<3x256xf32, #tpu.memory_space<vmem>>, vector<1x16xf32>,
      %get3A_42 = vector.shape_cast %get3A_41 : vector<1x16xf32> to vector<16xf32>
      %get3A_43 = arith.index_cast %mul3A_28 : i32 to index
      %get3A_44 = tpu.vector_load %arg10[%get3A_43] {strides = array<i32>} : memref<256xf32, #tpu.memory_space<vmem>>, vector<16xf32>,
      %get3A_45 = vector.shape_cast %get3A_44 : vector<16xf32> to vector<16xf32>
      %slice3A = vector.extract_strided_slice %get3A_32 {offsets = [0], sizes = [1], strides = [1]} : vector<16xf32> to vector<1xf32>
      %squeeze3A = vector.extract %slice3A[0] : f32 from vector<1xf32>
      %mul3A_46 = arith.constant 16 : i32
      %mul3A_47 = arith.muli %scan3A_25, %mul3A_46 : i32
      %add3A_48 = arith.constant 0 : i32
      %add3A_49 = arith.addi %mul3A_47, %add3A_48 : i32
      %swap3A = arith.constant 0 : i32
      %swap3A_50 = arith.index_cast %swap3A : i32 to index
      %swap3A_51 = arith.index_cast %add3A_49 : i32 to index
      %swap3A_52 = memref.load %arg14[%swap3A_50, %swap3A_51] : memref<4x256xf32, #tpu.memory_space<smem>>
      memref.store %squeeze3A, %arg14[%swap3A_50, %swap3A_51] : memref<4x256xf32, #tpu.memory_space<smem>>
      %slice3A_53 = vector.extract_strided_slice %get3A_37 {offsets = [0], sizes = [1], strides = [1]} : vector<16xf32> to vector<1xf32>
      %squeeze3A_54 = vector.extract %slice3A_53[0] : f32 from vector<1xf32>
      %mul3A_55 = arith.constant 16 : i32
      %mul3A_56 = arith.muli %scan3A_25, %mul3A_55 : i32
      %add3A_57 = arith.constant 0 : i32
      %add3A_58 = arith.addi %mul3A_56, %add3A_57 : i32
      %swap3A_59 = arith.constant 1 : i32
      %swap3A_60 = arith.index_cast %swap3A_59 : i32 to index
      %swap3A_61 = arith.index_cast %add3A_58 : i32 to index
      %swap3A_62 = memref.load %arg14[%swap3A_60, %swap3A_61] : memref<4x256xf32, #tpu.memory_space<smem>>
      memref.store %squeeze3A_54, %arg14[%swap3A_60, %swap3A_61] : memref<4x256xf32, #tpu.memory_space<smem>>
      %slice3A_63 = vector.extract_strided_slice %get3A_42 {offsets = [0], sizes = [1], strides = [1]} : vector<16xf32> to vector<1xf32>
      %squeeze3A_64 = vector.extract %slice3A_63[0] : f32 from vector<1xf32>
      %mul3A_65 = arith.constant 16 : i32
      %mul3A_66 = arith.muli %scan3A_25, %mul3A_65 : i32
      %add3A_67 = arith.constant 0 : i32
      %add3A_68 = arith.addi %mul3A_66, %add3A_67 : i32
      %swap3A_69 = arith.constant 2 : i32
      %swap3A_70 = arith.index_cast %swap3A_69 : i32 to index
      %swap3A_71 = arith.index_cast %add3A_68 : i32 to index
      %swap3A_72 = memref.load %arg14[%swap3A_70, %swap3A_71] : memref<4x256xf32, #tpu.memory_space<smem>>
      memref.store %squeeze3A_64, %arg14[%swap3A_70, %swap3A_71] : memref<4x256xf32, #tpu.memory_space<smem>>
      %slice3A_73 = vector.extract_strided_slice %get3A_45 {offsets = [0], sizes = [1], strides = [1]} : vector<16xf32> to vector<1xf32>
      %squeeze3A_74 = vector.extract %slice3A_73[0] : f32 from vector<1xf32>
      %mul3A_75 = arith.constant 16 : i32
      %mul3A_76 = arith.muli %scan3A_25, %mul3A_75 : i32
      %add3A_77 = arith.constant 0 : i32
      %add3A_78 = arith.addi %mul3A_76, %add3A_77 : i32
      %swap3A_79 = arith.constant 3 : i32
      %swap3A_80 = arith.index_cast %swap3A_79 : i32 to index
      %swap3A_81 = arith.index_cast %add3A_78 : i32 to index
      %swap3A_82 = memref.load %arg14[%swap3A_80, %swap3A_81] : memref<4x256xf32, #tpu.memory_space<smem>>
      memref.store %squeeze3A_74, %arg14[%swap3A_80, %swap3A_81] : memref<4x256xf32, #tpu.memory_space<smem>>
      %slice3A_83 = vector.extract_strided_slice %get3A_32 {offsets = [1], sizes = [1], strides = [1]} : vector<16xf32> to vector<1xf32>
      %squeeze3A_84 = vector.extract %slice3A_83[0] : f32 from vector<1xf32>
      %mul3A_85 = arith.constant 16 : i32
      %mul3A_86 = arith.muli %scan3A_25, %mul3A_85 : i32
      %add3A_87 = arith.constant 1 : i32
      %add3A_88 = arith.addi %mul3A_86, %add3A_87 : i32
      %swap3A_89 = arith.constant 0 : i32
      %swap3A_90 = arith.index_cast %swap3A_89 : i32 to index
      %swap3A_91 = arith.index_cast %add3A_88 : i32 to index
      %swap3A_92 = memref.load %arg14[%swap3A_90, %swap3A_91] : memref<4x256xf32, #tpu.memory_space<smem>>
      memref.store %squeeze3A_84, %arg14[%swap3A_90, %swap3A_91] : memref<4x256xf32, #tpu.memory_space<smem>>
      %slice3A_93 = vector.extract_strided_slice %get3A_37 {offsets = [1], sizes = [1], strides = [1]} : vector<16xf32> to vector<1xf32>
      %squeeze3A_94 = vector.extract %slice3A_93[0] : f32 from vector<1xf32>
      %mul3A_95 = arith.constant 16 : i32
      %mul3A_96 = arith.muli %scan3A_25, %mul3A_95 : i32
      %add3A_97 = arith.constant 1 : i32
      %add3A_98 = arith.addi %mul3A_96, %add3A_97 : i32
      %swap3A_99 = arith.constant 1 : i32
      %swap3A_100 = arith.index_cast %swap3A_99 : i32 to index
      %swap3A_101 = arith.index_cast %add3A_98 : i32 to index
      %swap3A_102 = memref.load %arg14[%swap3A_100, %swap3A_101] : memref<4x256xf32, #tpu.memory_space<smem>>
      memref.store %squeeze3A_94, %arg14[%swap3A_100, %swap3A_101] : memref<4x256xf32, #tpu.memory_space<smem>>
      %slice3A_103 = vector.extract_strided_slice %get3A_42 {offsets = [1], sizes = [1], strides = [1]} : vector<16xf32> to vector<1xf32>
      %squeeze3A_104 = vector.extract %slice3A_103[0] : f32 from vector<1xf32>
      %mul3A_105 = arith.constant 16 : i32
      %mul3A_106 = arith.muli %scan3A_25, %mul3A_105 : i32
      %add3A_107 = arith.constant 1 : i32
      %add3A_108 = arith.addi %mul3A_106, %add3A_107 : i32
      %swap3A_109 = arith.constant 2 : i32
      %swap3A_110 = arith.index_cast %swap3A_109 : i32 to index
      %swap3A_111 = arith.index_cast %add3A_108 : i32 to index
      %swap3A_112 = memref.load %arg14[%swap3A_110, %swap3A_111] : memref<4x256xf32, #tpu.memory_space<smem>>
      memref.store %squeeze3A_104, %arg14[%swap3A_110, %swap3A_111] : memref<4x256xf32, #tpu.memory_space<smem>>
      %slice3A_113 = vector.extract_strided_slice %get3A_45 {offsets = [1], sizes = [1], strides = [1]} : vector<16xf32> to vector<1xf32>
      %squeeze3A_114 = vector.extract %slice3A_113[0] : f32 from vector<1xf32>
      %mul3A_115 = arith.constant 16 : i32
      %mul3A_116 = arith.muli %scan3A_25, %mul3A_115 : i32
      %add3A_117 = arith.constant 1 : i32
      %add3A_118 = arith.addi %mul3A_116, %add3A_117 : i32
      %swap3A_119 = arith.constant 3 : i32
      %swap3A_120 = arith.index_cast %swap3A_119 : i32 to index
      %swap3A_121 = arith.index_cast %add3A_118 : i32 to index
      %swap3A_122 = memref.load %arg14[%swap3A_120, %swap3A_121] : memref<4x256xf32, #tpu.memory_space<smem>>
      memref.store %squeeze3A_114, %arg14[%swap3A_120, %swap3A_121] : memref<4x256xf32, #tpu.memory_space<smem>>
      %slice3A_123 = vector.extract_strided_slice %get3A_32 {offsets = [2], sizes = [1], strides = [1]} : vector<16xf32> to vector<1xf32>
      %squeeze3A_124 = vector.extract %slice3A_123[0] : f32 from vector<1xf32>
      %mul3A_125 = arith.constant 16 : i32
      %mul3A_126 = arith.muli %scan3A_25, %mul3A_125 : i32
      %add3A_127 = arith.constant 2 : i32
      %add3A_128 = arith.addi %mul3A_126, %add3A_127 : i32
      %swap3A_129 = arith.constant 0 : i32
      %swap3A_130 = arith.index_cast %swap3A_129 : i32 to index
      %swap3A_131 = arith.index_cast %add3A_128 : i32 to index
      %swap3A_132 = memref.load %arg14[%swap3A_130, %swap3A_131] : memref<4x256xf32, #tpu.memory_space<smem>>
      memref.store %squeeze3A_124, %arg14[%swap3A_130, %swap3A_131] : memref<4x256xf32, #tpu.memory_space<smem>>
      %slice3A_133 = vector.extract_strided_slice %get3A_37 {offsets = [2], sizes = [1], strides = [1]} : vector<16xf32> to vector<1xf32>
      %squeeze3A_134 = vector.extract %slice3A_133[0] : f32 from vector<1xf32>
      %mul3A_135 = arith.constant 16 : i32
      %mul3A_136 = arith.muli %scan3A_25, %mul3A_135 : i32
      %add3A_137 = arith.constant 2 : i32
      %add3A_138 = arith.addi %mul3A_136, %add3A_137 : i32
      %swap3A_139 = arith.constant 1 : i32
      %swap3A_140 = arith.index_cast %swap3A_139 : i32 to index
      %swap3A_141 = arith.index_cast %add3A_138 : i32 to index
      %swap3A_142 = memref.load %arg14[%swap3A_140, %swap3A_141] : memref<4x256xf32, #tpu.memory_space<smem>>
      memref.store %squeeze3A_134, %arg14[%swap3A_140, %swap3A_141] : memref<4x256xf32, #tpu.memory_space<smem>>
      %slice3A_143 = vector.extract_strided_slice %get3A_42 {offsets = [2], sizes = [1], strides = [1]} : vector<16xf32> to vector<1xf32>
      %squeeze3A_144 = vector.extract %slice3A_143[0] : f32 from vector<1xf32>
      %mul3A_145 = arith.constant 16 : i32
      %mul3A_146 = arith.muli %scan3A_25, %mul3A_145 : i32
      %add3A_147 = arith.constant 2 : i32
      %add3A_148 = arith.addi %mul3A_146, %add3A_147 : i32
      %swap3A_149 = arith.constant 2 : i32
      %swap3A_150 = arith.index_cast %swap3A_149 : i32 to index
      %swap3A_151 = arith.index_cast %add3A_148 : i32 to index
      %swap3A_152 = memref.load %arg14[%swap3A_150, %swap3A_151] : memref<4x256xf32, #tpu.memory_space<smem>>
      memref.store %squeeze3A_144, %arg14[%swap3A_150, %swap3A_151] : memref<4x256xf32, #tpu.memory_space<smem>>
      %slice3A_153 = vector.extract_strided_slice %get3A_45 {offsets = [2], sizes = [1], strides = [1]} : vector<16xf32> to vector<1xf32>
      %squeeze3A_154 = vector.extract %slice3A_153[0] : f32 from vector<1xf32>
      %mul3A_155 = arith.constant 16 : i32
      %mul3A_156 = arith.muli %scan3A_25, %mul3A_155 : i32
      %add3A_157 = arith.constant 2 : i32
      %add3A_158 = arith.addi %mul3A_156, %add3A_157 : i32
      %swap3A_159 = arith.constant 3 : i32
      %swap3A_160 = arith.index_cast %swap3A_159 : i32 to index
      %swap3A_161 = arith.index_cast %add3A_158 : i32 to index
      %swap3A_162 = memref.load %arg14[%swap3A_160, %swap3A_161] : memref<4x256xf32, #tpu.memory_space<smem>>
      memref.store %squeeze3A_154, %arg14[%swap3A_160, %swap3A_161] : memref<4x256xf32, #tpu.memory_space<smem>>
      %slice3A_163 = vector.extract_strided_slice %get3A_32 {offsets = [3], sizes = [1], strides = [1]} : vector<16xf32> to vector<1xf32>
      %squeeze3A_164 = vector.extract %slice3A_163[0] : f32 from vector<1xf32>
      %mul3A_165 = arith.constant 16 : i32
      %mul3A_166 = arith.muli %scan3A_25, %mul3A_165 : i32
      %add3A_167 = arith.constant 3 : i32
      %add3A_168 = arith.addi %mul3A_166, %add3A_167 : i32
      %swap3A_169 = arith.constant 0 : i32
      %swap3A_170 = arith.index_cast %swap3A_169 : i32 to index
      %swap3A_171 = arith.index_cast %add3A_168 : i32 to index
      %swap3A_172 = memref.load %arg14[%swap3A_170, %swap3A_171] : memref<4x256xf32, #tpu.memory_space<smem>>
      memref.store %squeeze3A_164, %arg14[%swap3A_170, %swap3A_171] : memref<4x256xf32, #tpu.memory_space<smem>>
      %slice3A_173 = vector.extract_strided_slice %get3A_37 {offsets = [3], sizes = [1], strides = [1]} : vector<16xf32> to vector<1xf32>
      %squeeze3A_174 = vector.extract %slice3A_173[0] : f32 from vector<1xf32>
      %mul3A_175 = arith.constant 16 : i32
      %mul3A_176 = arith.muli %scan3A_25, %mul3A_175 : i32
      %add3A_177 = arith.constant 3 : i32
      %add3A_178 = arith.addi %mul3A_176, %add3A_177 : i32
      %swap3A_179 = arith.constant 1 : i32
      %swap3A_180 = arith.index_cast %swap3A_179 : i32 to index
      %swap3A_181 = arith.index_cast %add3A_178 : i32 to index
      %swap3A_182 = memref.load %arg14[%swap3A_180, %swap3A_181] : memref<4x256xf32, #tpu.memory_space<smem>>
      memref.store %squeeze3A_174, %arg14[%swap3A_180, %swap3A_181] : memref<4x256xf32, #tpu.memory_space<smem>>
      %slice3A_183 = vector.extract_strided_slice %get3A_42 {offsets = [3], sizes = [1], strides = [1]} : vector<16xf32> to vector<1xf32>
      %squeeze3A_184 = vector.extract %slice3A_183[0] : f32 from vector<1xf32>
      %mul3A_185 = arith.constant 16 : i32
      %mul3A_186 = arith.muli %scan3A_25, %mul3A_185 : i32
      %add3A_187 = arith.constant 3 : i32
      %add3A_188 = arith.addi %mul3A_186, %add3A_187 : i32
      %swap3A_189 = arith.constant 2 : i32
      %swap3A_190 = arith.index_cast %swap3A_189 : i32 to index
      %swap3A_191 = arith.index_cast %add3A_188 : i32 to index
      %swap3A_192 = memref.load %arg14[%swap3A_190, %swap3A_191] : memref<4x256xf32, #tpu.memory_space<smem>>
      memref.store %squeeze3A_184, %arg14[%swap3A_190, %swap3A_191] : memref<4x256xf32, #tpu.memory_space<smem>>
      %slice3A_193 = vector.extract_strided_slice %get3A_45 {offsets = [3], sizes = [1], strides = [1]} : vector<16xf32> to vector<1xf32>
      %squeeze3A_194 = vector.extract %slice3A_193[0] : f32 from vector<1xf32>
      %mul3A_195 = arith.constant 16 : i32
      %mul3A_196 = arith.muli %scan3A_25, %mul3A_195 : i32
      %add3A_197 = arith.constant 3 : i32
      %add3A_198 = arith.addi %mul3A_196, %add3A_197 : i32
      %swap3A_199 = arith.constant 3 : i32
      %swap3A_200 = arith.index_cast %swap3A_199 : i32 to index
      %swap3A_201 = arith.index_cast %add3A_198 : i32 to index
      %swap3A_202 = memref.load %arg14[%swap3A_200, %swap3A_201] : memref<4x256xf32, #tpu.memory_space<smem>>
      memref.store %squeeze3A_194, %arg14[%swap3A_200, %swap3A_201] : memref<4x256xf32, #tpu.memory_space<smem>>
      %slice3A_203 = vector.extract_strided_slice %get3A_32 {offsets = [4], sizes = [1], strides = [1]} : vector<16xf32> to vector<1xf32>
      %squeeze3A_204 = vector.extract %slice3A_203[0] : f32 from vector<1xf32>
      %mul3A_205 = arith.constant 16 : i32
      %mul3A_206 = arith.muli %scan3A_25, %mul3A_205 : i32
      %add3A_207 = arith.constant 4 : i32
      %add3A_208 = arith.addi %mul3A_206, %add3A_207 : i32
      %swap3A_209 = arith.constant 0 : i32
      %swap3A_210 = arith.index_cast %swap3A_209 : i32 to index
      %swap3A_211 = arith.index_cast %add3A_208 : i32 to index
      %swap3A_212 = memref.load %arg14[%swap3A_210, %swap3A_211] : memref<4x256xf32, #tpu.memory_space<smem>>
      memref.store %squeeze3A_204, %arg14[%swap3A_210, %swap3A_211] : memref<4x256xf32, #tpu.memory_space<smem>>
      %slice3A_213 = vector.extract_strided_slice %get3A_37 {offsets = [4], sizes = [1], strides = [1]} : vector<16xf32> to vector<1xf32>
      %squeeze3A_214 = vector.extract %slice3A_213[0] : f32 from vector<1xf32>
      %mul3A_215 = arith.constant 16 : i32
      %mul3A_216 = arith.muli %scan3A_25, %mul3A_215 : i32
      %add3A_217 = arith.constant 4 : i32
      %add3A_218 = arith.addi %mul3A_216, %add3A_217 : i32
      %swap3A_219 = arith.constant 1 : i32
      %swap3A_220 = arith.index_cast %swap3A_219 : i32 to index
      %swap3A_221 = arith.index_cast %add3A_218 : i32 to index
      %swap3A_222 = memref.load %arg14[%swap3A_220, %swap3A_221] : memref<4x256xf32, #tpu.memory_space<smem>>
      memref.store %squeeze3A_214, %arg14[%swap3A_220, %swap3A_221] : memref<4x256xf32, #tpu.memory_space<smem>>
      %slice3A_223 = vector.extract_strided_slice %get3A_42 {offsets = [4], sizes = [1], strides = [1]} : vector<16xf32> to vector<1xf32>
      %squeeze3A_224 = vector.extract %slice3A_223[0] : f32 from vector<1xf32>
      %mul3A_225 = arith.constant 16 : i32
      %mul3A_226 = arith.muli %scan3A_25, %mul3A_225 : i32
      %add3A_227 = arith.constant 4 : i32
      %add3A_228 = arith.addi %mul3A_226, %add3A_227 : i32
      %swap3A_229 = arith.constant 2 : i32
      %swap3A_230 = arith.index_cast %swap3A_229 : i32 to index
      %swap3A_231 = arith.index_cast %add3A_228 : i32 to index
      %swap3A_232 = memref.load %arg14[%swap3A_230, %swap3A_231] : memref<4x256xf32, #tpu.memory_space<smem>>
      memref.store %squeeze3A_224, %arg14[%swap3A_230, %swap3A_231] : memref<4x256xf32, #tpu.memory_space<smem>>
      %slice3A_233 = vector.extract_strided_slice %get3A_45 {offsets = [4], sizes = [1], strides = [1]} : vector<16xf32> to vector<1xf32>
      %squeeze3A_234 = vector.extract %slice3A_233[0] : f32 from vector<1xf32>
      %mul3A_235 = arith.constant 16 : i32
      %mul3A_236 = arith.muli %scan3A_25, %mul3A_235 : i32
      %add3A_237 = arith.constant 4 : i32
      %add3A_238 = arith.addi %mul3A_236, %add3A_237 : i32
      %swap3A_239 = arith.constant 3 : i32
      %swap3A_240 = arith.index_cast %swap3A_239 : i32 to index
      %swap3A_241 = arith.index_cast %add3A_238 : i32 to index
      %swap3A_242 = memref.load %arg14[%swap3A_240, %swap3A_241] : memref<4x256xf32, #tpu.memory_space<smem>>
      memref.store %squeeze3A_234, %arg14[%swap3A_240, %swap3A_241] : memref<4x256xf32, #tpu.memory_space<smem>>
      %slice3A_243 = vector.extract_strided_slice %get3A_32 {offsets = [5], sizes = [1], strides = [1]} : vector<16xf32> to vector<1xf32>
      %squeeze3A_244 = vector.extract %slice3A_243[0] : f32 from vector<1xf32>
      %mul3A_245 = arith.constant 16 : i32
      %mul3A_246 = arith.muli %scan3A_25, %mul3A_245 : i32
      %add3A_247 = arith.constant 5 : i32
      %add3A_248 = arith.addi %mul3A_246, %add3A_247 : i32
      %swap3A_249 = arith.constant 0 : i32
      %swap3A_250 = arith.index_cast %swap3A_249 : i32 to index
      %swap3A_251 = arith.index_cast %add3A_248 : i32 to index
      %swap3A_252 = memref.load %arg14[%swap3A_250, %swap3A_251] : memref<4x256xf32, #tpu.memory_space<smem>>
      memref.store %squeeze3A_244, %arg14[%swap3A_250, %swap3A_251] : memref<4x256xf32, #tpu.memory_space<smem>>
      %slice3A_253 = vector.extract_strided_slice %get3A_37 {offsets = [5], sizes = [1], strides = [1]} : vector<16xf32> to vector<1xf32>
      %squeeze3A_254 = vector.extract %slice3A_253[0] : f32 from vector<1xf32>
      %mul3A_255 = arith.constant 16 : i32
      %mul3A_256 = arith.muli %scan3A_25, %mul3A_255 : i32
      %add3A_257 = arith.constant 5 : i32
      %add3A_258 = arith.addi %mul3A_256, %add3A_257 : i32
      %swap3A_259 = arith.constant 1 : i32
      %swap3A_260 = arith.index_cast %swap3A_259 : i32 to index
      %swap3A_261 = arith.index_cast %add3A_258 : i32 to index
      %swap3A_262 = memref.load %arg14[%swap3A_260, %swap3A_261] : memref<4x256xf32, #tpu.memory_space<smem>>
      memref.store %squeeze3A_254, %arg14[%swap3A_260, %swap3A_261] : memref<4x256xf32, #tpu.memory_space<smem>>
      %slice3A_263 = vector.extract_strided_slice %get3A_42 {offsets = [5], sizes = [1], strides = [1]} : vector<16xf32> to vector<1xf32>
      %squeeze3A_264 = vector.extract %slice3A_263[0] : f32 from vector<1xf32>
      %mul3A_265 = arith.constant 16 : i32
      %mul3A_266 = arith.muli %scan3A_25, %mul3A_265 : i32
      %add3A_267 = arith.constant 5 : i32
      %add3A_268 = arith.addi %mul3A_266, %add3A_267 : i32
      %swap3A_269 = arith.constant 2 : i32
      %swap3A_270 = arith.index_cast %swap3A_269 : i32 to index
      %swap3A_271 = arith.index_cast %add3A_268 : i32 to index
      %swap3A_272 = memref.load %arg14[%swap3A_270, %swap3A_271] : memref<4x256xf32, #tpu.memory_space<smem>>
      memref.store %squeeze3A_264, %arg14[%swap3A_270, %swap3A_271] : memref<4x256xf32, #tpu.memory_space<smem>>
      %slice3A_273 = vector.extract_strided_slice %get3A_45 {offsets = [5], sizes = [1], strides = [1]} : vector<16xf32> to vector<1xf32>
      %squeeze3A_274 = vector.extract %slice3A_273[0] : f32 from vector<1xf32>
      %mul3A_275 = arith.constant 16 : i32
      %mul3A_276 = arith.muli %scan3A_25, %mul3A_275 : i32
      %add3A_277 = arith.constant 5 : i32
      %add3A_278 = arith.addi %mul3A_276, %add3A_277 : i32
      %swap3A_279 = arith.constant 3 : i32
      %swap3A_280 = arith.index_cast %swap3A_279 : i32 to index
      %swap3A_281 = arith.index_cast %add3A_278 : i32 to index
      %swap3A_282 = memref.load %arg14[%swap3A_280, %swap3A_281] : memref<4x256xf32, #tpu.memory_space<smem>>
      memref.store %squeeze3A_274, %arg14[%swap3A_280, %swap3A_281] : memref<4x256xf32, #tpu.memory_space<smem>>
      %slice3A_283 = vector.extract_strided_slice %get3A_32 {offsets = [6], sizes = [1], strides = [1]} : vector<16xf32> to vector<1xf32>
      %squeeze3A_284 = vector.extract %slice3A_283[0] : f32 from vector<1xf32>
      %mul3A_285 = arith.constant 16 : i32
      %mul3A_286 = arith.muli %scan3A_25, %mul3A_285 : i32
      %add3A_287 = arith.constant 6 : i32
      %add3A_288 = arith.addi %mul3A_286, %add3A_287 : i32
      %swap3A_289 = arith.constant 0 : i32
      %swap3A_290 = arith.index_cast %swap3A_289 : i32 to index
      %swap3A_291 = arith.index_cast %add3A_288 : i32 to index
      %swap3A_292 = memref.load %arg14[%swap3A_290, %swap3A_291] : memref<4x256xf32, #tpu.memory_space<smem>>
      memref.store %squeeze3A_284, %arg14[%swap3A_290, %swap3A_291] : memref<4x256xf32, #tpu.memory_space<smem>>
      %slice3A_293 = vector.extract_strided_slice %get3A_37 {offsets = [6], sizes = [1], strides = [1]} : vector<16xf32> to vector<1xf32>
      %squeeze3A_294 = vector.extract %slice3A_293[0] : f32 from vector<1xf32>
      %mul3A_295 = arith.constant 16 : i32
      %mul3A_296 = arith.muli %scan3A_25, %mul3A_295 : i32
      %add3A_297 = arith.constant 6 : i32
      %add3A_298 = arith.addi %mul3A_296, %add3A_297 : i32
      %swap3A_299 = arith.constant 1 : i32
      %swap3A_300 = arith.index_cast %swap3A_299 : i32 to index
      %swap3A_301 = arith.index_cast %add3A_298 : i32 to index
      %swap3A_302 = memref.load %arg14[%swap3A_300, %swap3A_301] : memref<4x256xf32, #tpu.memory_space<smem>>
      memref.store %squeeze3A_294, %arg14[%swap3A_300, %swap3A_301] : memref<4x256xf32, #tpu.memory_space<smem>>
      %slice3A_303 = vector.extract_strided_slice %get3A_42 {offsets = [6], sizes = [1], strides = [1]} : vector<16xf32> to vector<1xf32>
      %squeeze3A_304 = vector.extract %slice3A_303[0] : f32 from vector<1xf32>
      %mul3A_305 = arith.constant 16 : i32
      %mul3A_306 = arith.muli %scan3A_25, %mul3A_305 : i32
      %add3A_307 = arith.constant 6 : i32
      %add3A_308 = arith.addi %mul3A_306, %add3A_307 : i32
      %swap3A_309 = arith.constant 2 : i32
      %swap3A_310 = arith.index_cast %swap3A_309 : i32 to index
      %swap3A_311 = arith.index_cast %add3A_308 : i32 to index
      %swap3A_312 = memref.load %arg14[%swap3A_310, %swap3A_311] : memref<4x256xf32, #tpu.memory_space<smem>>
      memref.store %squeeze3A_304, %arg14[%swap3A_310, %swap3A_311] : memref<4x256xf32, #tpu.memory_space<smem>>
      %slice3A_313 = vector.extract_strided_slice %get3A_45 {offsets = [6], sizes = [1], strides = [1]} : vector<16xf32> to vector<1xf32>
      %squeeze3A_314 = vector.extract %slice3A_313[0] : f32 from vector<1xf32>
      %mul3A_315 = arith.constant 16 : i32
      %mul3A_316 = arith.muli %scan3A_25, %mul3A_315 : i32
      %add3A_317 = arith.constant 6 : i32
      %add3A_318 = arith.addi %mul3A_316, %add3A_317 : i32
      %swap3A_319 = arith.constant 3 : i32
      %swap3A_320 = arith.index_cast %swap3A_319 : i32 to index
      %swap3A_321 = arith.index_cast %add3A_318 : i32 to index
      %swap3A_322 = memref.load %arg14[%swap3A_320, %swap3A_321] : memref<4x256xf32, #tpu.memory_space<smem>>
      memref.store %squeeze3A_314, %arg14[%swap3A_320, %swap3A_321] : memref<4x256xf32, #tpu.memory_space<smem>>
      %slice3A_323 = vector.extract_strided_slice %get3A_32 {offsets = [7], sizes = [1], strides = [1]} : vector<16xf32> to vector<1xf32>
      %squeeze3A_324 = vector.extract %slice3A_323[0] : f32 from vector<1xf32>
      %mul3A_325 = arith.constant 16 : i32
      %mul3A_326 = arith.muli %scan3A_25, %mul3A_325 : i32
      %add3A_327 = arith.constant 7 : i32
      %add3A_328 = arith.addi %mul3A_326, %add3A_327 : i32
      %swap3A_329 = arith.constant 0 : i32
      %swap3A_330 = arith.index_cast %swap3A_329 : i32 to index
      %swap3A_331 = arith.index_cast %add3A_328 : i32 to index
      %swap3A_332 = memref.load %arg14[%swap3A_330, %swap3A_331] : memref<4x256xf32, #tpu.memory_space<smem>>
      memref.store %squeeze3A_324, %arg14[%swap3A_330, %swap3A_331] : memref<4x256xf32, #tpu.memory_space<smem>>
      %slice3A_333 = vector.extract_strided_slice %get3A_37 {offsets = [7], sizes = [1], strides = [1]} : vector<16xf32> to vector<1xf32>
      %squeeze3A_334 = vector.extract %slice3A_333[0] : f32 from vector<1xf32>
      %mul3A_335 = arith.constant 16 : i32
      %mul3A_336 = arith.muli %scan3A_25, %mul3A_335 : i32
      %add3A_337 = arith.constant 7 : i32
      %add3A_338 = arith.addi %mul3A_336, %add3A_337 : i32
      %swap3A_339 = arith.constant 1 : i32
      %swap3A_340 = arith.index_cast %swap3A_339 : i32 to index
      %swap3A_341 = arith.index_cast %add3A_338 : i32 to index
      %swap3A_342 = memref.load %arg14[%swap3A_340, %swap3A_341] : memref<4x256xf32, #tpu.memory_space<smem>>
      memref.store %squeeze3A_334, %arg14[%swap3A_340, %swap3A_341] : memref<4x256xf32, #tpu.memory_space<smem>>
      %slice3A_343 = vector.extract_strided_slice %get3A_42 {offsets = [7], sizes = [1], strides = [1]} : vector<16xf32> to vector<1xf32>
      %squeeze3A_344 = vector.extract %slice3A_343[0] : f32 from vector<1xf32>
      %mul3A_345 = arith.constant 16 : i32
      %mul3A_346 = arith.muli %scan3A_25, %mul3A_345 : i32
      %add3A_347 = arith.constant 7 : i32
      %add3A_348 = arith.addi %mul3A_346, %add3A_347 : i32
      %swap3A_349 = arith.constant 2 : i32
      %swap3A_350 = arith.index_cast %swap3A_349 : i32 to index
      %swap3A_351 = arith.index_cast %add3A_348 : i32 to index
      %swap3A_352 = memref.load %arg14[%swap3A_350, %swap3A_351] : memref<4x256xf32, #tpu.memory_space<smem>>
      memref.store %squeeze3A_344, %arg14[%swap3A_350, %swap3A_351] : memref<4x256xf32, #tpu.memory_space<smem>>
      %slice3A_353 = vector.extract_strided_slice %get3A_45 {offsets = [7], sizes = [1], strides = [1]} : vector<16xf32> to vector<1xf32>
      %squeeze3A_354 = vector.extract %slice3A_353[0] : f32 from vector<1xf32>
      %mul3A_355 = arith.constant 16 : i32
      %mul3A_356 = arith.muli %scan3A_25, %mul3A_355 : i32
      %add3A_357 = arith.constant 7 : i32
      %add3A_358 = arith.addi %mul3A_356, %add3A_357 : i32
      %swap3A_359 = arith.constant 3 : i32
      %swap3A_360 = arith.index_cast %swap3A_359 : i32 to index
      %swap3A_361 = arith.index_cast %add3A_358 : i32 to index
      %swap3A_362 = memref.load %arg14[%swap3A_360, %swap3A_361] : memref<4x256xf32, #tpu.memory_space<smem>>
      memref.store %squeeze3A_354, %arg14[%swap3A_360, %swap3A_361] : memref<4x256xf32, #tpu.memory_space<smem>>
      %slice3A_363 = vector.extract_strided_slice %get3A_32 {offsets = [8], sizes = [1], strides = [1]} : vector<16xf32> to vector<1xf32>
      %squeeze3A_364 = vector.extract %slice3A_363[0] : f32 from vector<1xf32>
      %mul3A_365 = arith.constant 16 : i32
      %mul3A_366 = arith.muli %scan3A_25, %mul3A_365 : i32
      %add3A_367 = arith.constant 8 : i32
      %add3A_368 = arith.addi %mul3A_366, %add3A_367 : i32
      %swap3A_369 = arith.constant 0 : i32
      %swap3A_370 = arith.index_cast %swap3A_369 : i32 to index
      %swap3A_371 = arith.index_cast %add3A_368 : i32 to index
      %swap3A_372 = memref.load %arg14[%swap3A_370, %swap3A_371] : memref<4x256xf32, #tpu.memory_space<smem>>
      memref.store %squeeze3A_364, %arg14[%swap3A_370, %swap3A_371] : memref<4x256xf32, #tpu.memory_space<smem>>
      %slice3A_373 = vector.extract_strided_slice %get3A_37 {offsets = [8], sizes = [1], strides = [1]} : vector<16xf32> to vector<1xf32>
      %squeeze3A_374 = vector.extract %slice3A_373[0] : f32 from vector<1xf32>
      %mul3A_375 = arith.constant 16 : i32
      %mul3A_376 = arith.muli %scan3A_25, %mul3A_375 : i32
      %add3A_377 = arith.constant 8 : i32
      %add3A_378 = arith.addi %mul3A_376, %add3A_377 : i32
      %swap3A_379 = arith.constant 1 : i32
      %swap3A_380 = arith.index_cast %swap3A_379 : i32 to index
      %swap3A_381 = arith.index_cast %add3A_378 : i32 to index
      %swap3A_382 = memref.load %arg14[%swap3A_380, %swap3A_381] : memref<4x256xf32, #tpu.memory_space<smem>>
      memref.store %squeeze3A_374, %arg14[%swap3A_380, %swap3A_381] : memref<4x256xf32, #tpu.memory_space<smem>>
      %slice3A_383 = vector.extract_strided_slice %get3A_42 {offsets = [8], sizes = [1], strides = [1]} : vector<16xf32> to vector<1xf32>
      %squeeze3A_384 = vector.extract %slice3A_383[0] : f32 from vector<1xf32>
      %mul3A_385 = arith.constant 16 : i32
      %mul3A_386 = arith.muli %scan3A_25, %mul3A_385 : i32
      %add3A_387 = arith.constant 8 : i32
      %add3A_388 = arith.addi %mul3A_386, %add3A_387 : i32
      %swap3A_389 = arith.constant 2 : i32
      %swap3A_390 = arith.index_cast %swap3A_389 : i32 to index
      %swap3A_391 = arith.index_cast %add3A_388 : i32 to index
      %swap3A_392 = memref.load %arg14[%swap3A_390, %swap3A_391] : memref<4x256xf32, #tpu.memory_space<smem>>
      memref.store %squeeze3A_384, %arg14[%swap3A_390, %swap3A_391] : memref<4x256xf32, #tpu.memory_space<smem>>
      %slice3A_393 = vector.extract_strided_slice %get3A_45 {offsets = [8], sizes = [1], strides = [1]} : vector<16xf32> to vector<1xf32>
      %squeeze3A_394 = vector.extract %slice3A_393[0] : f32 from vector<1xf32>
      %mul3A_395 = arith.constant 16 : i32
      %mul3A_396 = arith.muli %scan3A_25, %mul3A_395 : i32
      %add3A_397 = arith.constant 8 : i32
      %add3A_398 = arith.addi %mul3A_396, %add3A_397 : i32
      %swap3A_399 = arith.constant 3 : i32
      %swap3A_400 = arith.index_cast %swap3A_399 : i32 to index
      %swap3A_401 = arith.index_cast %add3A_398 : i32 to index
      %swap3A_402 = memref.load %arg14[%swap3A_400, %swap3A_401] : memref<4x256xf32, #tpu.memory_space<smem>>
      memref.store %squeeze3A_394, %arg14[%swap3A_400, %swap3A_401] : memref<4x256xf32, #tpu.memory_space<smem>>
      %slice3A_403 = vector.extract_strided_slice %get3A_32 {offsets = [9], sizes = [1], strides = [1]} : vector<16xf32> to vector<1xf32>
      %squeeze3A_404 = vector.extract %slice3A_403[0] : f32 from vector<1xf32>
      %mul3A_405 = arith.constant 16 : i32
      %mul3A_406 = arith.muli %scan3A_25, %mul3A_405 : i32
      %add3A_407 = arith.constant 9 : i32
      %add3A_408 = arith.addi %mul3A_406, %add3A_407 : i32
      %swap3A_409 = arith.constant 0 : i32
      %swap3A_410 = arith.index_cast %swap3A_409 : i32 to index
      %swap3A_411 = arith.index_cast %add3A_408 : i32 to index
      %swap3A_412 = memref.load %arg14[%swap3A_410, %swap3A_411] : memref<4x256xf32, #tpu.memory_space<smem>>
      memref.store %squeeze3A_404, %arg14[%swap3A_410, %swap3A_411] : memref<4x256xf32, #tpu.memory_space<smem>>
      %slice3A_413 = vector.extract_strided_slice %get3A_37 {offsets = [9], sizes = [1], strides = [1]} : vector<16xf32> to vector<1xf32>
      %squeeze3A_414 = vector.extract %slice3A_413[0] : f32 from vector<1xf32>
      %mul3A_415 = arith.constant 16 : i32
      %mul3A_416 = arith.muli %scan3A_25, %mul3A_415 : i32
      %add3A_417 = arith.constant 9 : i32
      %add3A_418 = arith.addi %mul3A_416, %add3A_417 : i32
      %swap3A_419 = arith.constant 1 : i32
      %swap3A_420 = arith.index_cast %swap3A_419 : i32 to index
      %swap3A_421 = arith.index_cast %add3A_418 : i32 to index
      %swap3A_422 = memref.load %arg14[%swap3A_420, %swap3A_421] : memref<4x256xf32, #tpu.memory_space<smem>>
      memref.store %squeeze3A_414, %arg14[%swap3A_420, %swap3A_421] : memref<4x256xf32, #tpu.memory_space<smem>>
      %slice3A_423 = vector.extract_strided_slice %get3A_42 {offsets = [9], sizes = [1], strides = [1]} : vector<16xf32> to vector<1xf32>
      %squeeze3A_424 = vector.extract %slice3A_423[0] : f32 from vector<1xf32>
      %mul3A_425 = arith.constant 16 : i32
      %mul3A_426 = arith.muli %scan3A_25, %mul3A_425 : i32
      %add3A_427 = arith.constant 9 : i32
      %add3A_428 = arith.addi %mul3A_426, %add3A_427 : i32
      %swap3A_429 = arith.constant 2 : i32
      %swap3A_430 = arith.index_cast %swap3A_429 : i32 to index
      %swap3A_431 = arith.index_cast %add3A_428 : i32 to index
      %swap3A_432 = memref.load %arg14[%swap3A_430, %swap3A_431] : memref<4x256xf32, #tpu.memory_space<smem>>
      memref.store %squeeze3A_424, %arg14[%swap3A_430, %swap3A_431] : memref<4x256xf32, #tpu.memory_space<smem>>
      %slice3A_433 = vector.extract_strided_slice %get3A_45 {offsets = [9], sizes = [1], strides = [1]} : vector<16xf32> to vector<1xf32>
      %squeeze3A_434 = vector.extract %slice3A_433[0] : f32 from vector<1xf32>
      %mul3A_435 = arith.constant 16 : i32
      %mul3A_436 = arith.muli %scan3A_25, %mul3A_435 : i32
      %add3A_437 = arith.constant 9 : i32
      %add3A_438 = arith.addi %mul3A_436, %add3A_437 : i32
      %swap3A_439 = arith.constant 3 : i32
      %swap3A_440 = arith.index_cast %swap3A_439 : i32 to index
      %swap3A_441 = arith.index_cast %add3A_438 : i32 to index
      %swap3A_442 = memref.load %arg14[%swap3A_440, %swap3A_441] : memref<4x256xf32, #tpu.memory_space<smem>>
      memref.store %squeeze3A_434, %arg14[%swap3A_440, %swap3A_441] : memref<4x256xf32, #tpu.memory_space<smem>>
      %slice3A_443 = vector.extract_strided_slice %get3A_32 {offsets = [10], sizes = [1], strides = [1]} : vector<16xf32> to vector<1xf32>
      %squeeze3A_444 = vector.extract %slice3A_443[0] : f32 from vector<1xf32>
      %mul3A_445 = arith.constant 16 : i32
      %mul3A_446 = arith.muli %scan3A_25, %mul3A_445 : i32
      %add3A_447 = arith.constant 10 : i32
      %add3A_448 = arith.addi %mul3A_446, %add3A_447 : i32
      %swap3A_449 = arith.constant 0 : i32
      %swap3A_450 = arith.index_cast %swap3A_449 : i32 to index
      %swap3A_451 = arith.index_cast %add3A_448 : i32 to index
      %swap3A_452 = memref.load %arg14[%swap3A_450, %swap3A_451] : memref<4x256xf32, #tpu.memory_space<smem>>
      memref.store %squeeze3A_444, %arg14[%swap3A_450, %swap3A_451] : memref<4x256xf32, #tpu.memory_space<smem>>
      %slice3A_453 = vector.extract_strided_slice %get3A_37 {offsets = [10], sizes = [1], strides = [1]} : vector<16xf32> to vector<1xf32>
      %squeeze3A_454 = vector.extract %slice3A_453[0] : f32 from vector<1xf32>
      %mul3A_455 = arith.constant 16 : i32
      %mul3A_456 = arith.muli %scan3A_25, %mul3A_455 : i32
      %add3A_457 = arith.constant 10 : i32
      %add3A_458 = arith.addi %mul3A_456, %add3A_457 : i32
      %swap3A_459 = arith.constant 1 : i32
      %swap3A_460 = arith.index_cast %swap3A_459 : i32 to index
      %swap3A_461 = arith.index_cast %add3A_458 : i32 to index
      %swap3A_462 = memref.load %arg14[%swap3A_460, %swap3A_461] : memref<4x256xf32, #tpu.memory_space<smem>>
      memref.store %squeeze3A_454, %arg14[%swap3A_460, %swap3A_461] : memref<4x256xf32, #tpu.memory_space<smem>>
      %slice3A_463 = vector.extract_strided_slice %get3A_42 {offsets = [10], sizes = [1], strides = [1]} : vector<16xf32> to vector<1xf32>
      %squeeze3A_464 = vector.extract %slice3A_463[0] : f32 from vector<1xf32>
      %mul3A_465 = arith.constant 16 : i32
      %mul3A_466 = arith.muli %scan3A_25, %mul3A_465 : i32
      %add3A_467 = arith.constant 10 : i32
      %add3A_468 = arith.addi %mul3A_466, %add3A_467 : i32
      %swap3A_469 = arith.constant 2 : i32
      %swap3A_470 = arith.index_cast %swap3A_469 : i32 to index
      %swap3A_471 = arith.index_cast %add3A_468 : i32 to index
      %swap3A_472 = memref.load %arg14[%swap3A_470, %swap3A_471] : memref<4x256xf32, #tpu.memory_space<smem>>
      memref.store %squeeze3A_464, %arg14[%swap3A_470, %swap3A_471] : memref<4x256xf32, #tpu.memory_space<smem>>
      %slice3A_473 = vector.extract_strided_slice %get3A_45 {offsets = [10], sizes = [1], strides = [1]} : vector<16xf32> to vector<1xf32>
      %squeeze3A_474 = vector.extract %slice3A_473[0] : f32 from vector<1xf32>
      %mul3A_475 = arith.constant 16 : i32
      %mul3A_476 = arith.muli %scan3A_25, %mul3A_475 : i32
      %add3A_477 = arith.constant 10 : i32
      %add3A_478 = arith.addi %mul3A_476, %add3A_477 : i32
      %swap3A_479 = arith.constant 3 : i32
      %swap3A_480 = arith.index_cast %swap3A_479 : i32 to index
      %swap3A_481 = arith.index_cast %add3A_478 : i32 to index
      %swap3A_482 = memref.load %arg14[%swap3A_480, %swap3A_481] : memref<4x256xf32, #tpu.memory_space<smem>>
      memref.store %squeeze3A_474, %arg14[%swap3A_480, %swap3A_481] : memref<4x256xf32, #tpu.memory_space<smem>>
      %slice3A_483 = vector.extract_strided_slice %get3A_32 {offsets = [11], sizes = [1], strides = [1]} : vector<16xf32> to vector<1xf32>
      %squeeze3A_484 = vector.extract %slice3A_483[0] : f32 from vector<1xf32>
      %mul3A_485 = arith.constant 16 : i32
      %mul3A_486 = arith.muli %scan3A_25, %mul3A_485 : i32
      %add3A_487 = arith.constant 11 : i32
      %add3A_488 = arith.addi %mul3A_486, %add3A_487 : i32
      %swap3A_489 = arith.constant 0 : i32
      %swap3A_490 = arith.index_cast %swap3A_489 : i32 to index
      %swap3A_491 = arith.index_cast %add3A_488 : i32 to index
      %swap3A_492 = memref.load %arg14[%swap3A_490, %swap3A_491] : memref<4x256xf32, #tpu.memory_space<smem>>
      memref.store %squeeze3A_484, %arg14[%swap3A_490, %swap3A_491] : memref<4x256xf32, #tpu.memory_space<smem>>
      %slice3A_493 = vector.extract_strided_slice %get3A_37 {offsets = [11], sizes = [1], strides = [1]} : vector<16xf32> to vector<1xf32>
      %squeeze3A_494 = vector.extract %slice3A_493[0] : f32 from vector<1xf32>
      %mul3A_495 = arith.constant 16 : i32
      %mul3A_496 = arith.muli %scan3A_25, %mul3A_495 : i32
      %add3A_497 = arith.constant 11 : i32
      %add3A_498 = arith.addi %mul3A_496, %add3A_497 : i32
      %swap3A_499 = arith.constant 1 : i32
      %swap3A_500 = arith.index_cast %swap3A_499 : i32 to index
      %swap3A_501 = arith.index_cast %add3A_498 : i32 to index
      %swap3A_502 = memref.load %arg14[%swap3A_500, %swap3A_501] : memref<4x256xf32, #tpu.memory_space<smem>>
      memref.store %squeeze3A_494, %arg14[%swap3A_500, %swap3A_501] : memref<4x256xf32, #tpu.memory_space<smem>>
      %slice3A_503 = vector.extract_strided_slice %get3A_42 {offsets = [11], sizes = [1], strides = [1]} : vector<16xf32> to vector<1xf32>
      %squeeze3A_504 = vector.extract %slice3A_503[0] : f32 from vector<1xf32>
      %mul3A_505 = arith.constant 16 : i32
      %mul3A_506 = arith.muli %scan3A_25, %mul3A_505 : i32
      %add3A_507 = arith.constant 11 : i32
      %add3A_508 = arith.addi %mul3A_506, %add3A_507 : i32
      %swap3A_509 = arith.constant 2 : i32
      %swap3A_510 = arith.index_cast %swap3A_509 : i32 to index
      %swap3A_511 = arith.index_cast %add3A_508 : i32 to index
      %swap3A_512 = memref.load %arg14[%swap3A_510, %swap3A_511] : memref<4x256xf32, #tpu.memory_space<smem>>
      memref.store %squeeze3A_504, %arg14[%swap3A_510, %swap3A_511] : memref<4x256xf32, #tpu.memory_space<smem>>
      %slice3A_513 = vector.extract_strided_slice %get3A_45 {offsets = [11], sizes = [1], strides = [1]} : vector<16xf32> to vector<1xf32>
      %squeeze3A_514 = vector.extract %slice3A_513[0] : f32 from vector<1xf32>
      %mul3A_515 = arith.constant 16 : i32
      %mul3A_516 = arith.muli %scan3A_25, %mul3A_515 : i32
      %add3A_517 = arith.constant 11 : i32
      %add3A_518 = arith.addi %mul3A_516, %add3A_517 : i32
      %swap3A_519 = arith.constant 3 : i32
      %swap3A_520 = arith.index_cast %swap3A_519 : i32 to index
      %swap3A_521 = arith.index_cast %add3A_518 : i32 to index
      %swap3A_522 = memref.load %arg14[%swap3A_520, %swap3A_521] : memref<4x256xf32, #tpu.memory_space<smem>>
      memref.store %squeeze3A_514, %arg14[%swap3A_520, %swap3A_521] : memref<4x256xf32, #tpu.memory_space<smem>>
      %slice3A_523 = vector.extract_strided_slice %get3A_32 {offsets = [12], sizes = [1], strides = [1]} : vector<16xf32> to vector<1xf32>
      %squeeze3A_524 = vector.extract %slice3A_523[0] : f32 from vector<1xf32>
      %mul3A_525 = arith.constant 16 : i32
      %mul3A_526 = arith.muli %scan3A_25, %mul3A_525 : i32
      %add3A_527 = arith.constant 12 : i32
      %add3A_528 = arith.addi %mul3A_526, %add3A_527 : i32
      %swap3A_529 = arith.constant 0 : i32
      %swap3A_530 = arith.index_cast %swap3A_529 : i32 to index
      %swap3A_531 = arith.index_cast %add3A_528 : i32 to index
      %swap3A_532 = memref.load %arg14[%swap3A_530, %swap3A_531] : memref<4x256xf32, #tpu.memory_space<smem>>
      memref.store %squeeze3A_524, %arg14[%swap3A_530, %swap3A_531] : memref<4x256xf32, #tpu.memory_space<smem>>
      %slice3A_533 = vector.extract_strided_slice %get3A_37 {offsets = [12], sizes = [1], strides = [1]} : vector<16xf32> to vector<1xf32>
      %squeeze3A_534 = vector.extract %slice3A_533[0] : f32 from vector<1xf32>
      %mul3A_535 = arith.constant 16 : i32
      %mul3A_536 = arith.muli %scan3A_25, %mul3A_535 : i32
      %add3A_537 = arith.constant 12 : i32
      %add3A_538 = arith.addi %mul3A_536, %add3A_537 : i32
      %swap3A_539 = arith.constant 1 : i32
      %swap3A_540 = arith.index_cast %swap3A_539 : i32 to index
      %swap3A_541 = arith.index_cast %add3A_538 : i32 to index
      %swap3A_542 = memref.load %arg14[%swap3A_540, %swap3A_541] : memref<4x256xf32, #tpu.memory_space<smem>>
      memref.store %squeeze3A_534, %arg14[%swap3A_540, %swap3A_541] : memref<4x256xf32, #tpu.memory_space<smem>>
      %slice3A_543 = vector.extract_strided_slice %get3A_42 {offsets = [12], sizes = [1], strides = [1]} : vector<16xf32> to vector<1xf32>
      %squeeze3A_544 = vector.extract %slice3A_543[0] : f32 from vector<1xf32>
      %mul3A_545 = arith.constant 16 : i32
      %mul3A_546 = arith.muli %scan3A_25, %mul3A_545 : i32
      %add3A_547 = arith.constant 12 : i32
      %add3A_548 = arith.addi %mul3A_546, %add3A_547 : i32
      %swap3A_549 = arith.constant 2 : i32
      %swap3A_550 = arith.index_cast %swap3A_549 : i32 to index
      %swap3A_551 = arith.index_cast %add3A_548 : i32 to index
      %swap3A_552 = memref.load %arg14[%swap3A_550, %swap3A_551] : memref<4x256xf32, #tpu.memory_space<smem>>
      memref.store %squeeze3A_544, %arg14[%swap3A_550, %swap3A_551] : memref<4x256xf32, #tpu.memory_space<smem>>
      %slice3A_553 = vector.extract_strided_slice %get3A_45 {offsets = [12], sizes = [1], strides = [1]} : vector<16xf32> to vector<1xf32>
      %squeeze3A_554 = vector.extract %slice3A_553[0] : f32 from vector<1xf32>
      %mul3A_555 = arith.constant 16 : i32
      %mul3A_556 = arith.muli %scan3A_25, %mul3A_555 : i32
      %add3A_557 = arith.constant 12 : i32
      %add3A_558 = arith.addi %mul3A_556, %add3A_557 : i32
      %swap3A_559 = arith.constant 3 : i32
      %swap3A_560 = arith.index_cast %swap3A_559 : i32 to index
      %swap3A_561 = arith.index_cast %add3A_558 : i32 to index
      %swap3A_562 = memref.load %arg14[%swap3A_560, %swap3A_561] : memref<4x256xf32, #tpu.memory_space<smem>>
      memref.store %squeeze3A_554, %arg14[%swap3A_560, %swap3A_561] : memref<4x256xf32, #tpu.memory_space<smem>>
      %slice3A_563 = vector.extract_strided_slice %get3A_32 {offsets = [13], sizes = [1], strides = [1]} : vector<16xf32> to vector<1xf32>
      %squeeze3A_564 = vector.extract %slice3A_563[0] : f32 from vector<1xf32>
      %mul3A_565 = arith.constant 16 : i32
      %mul3A_566 = arith.muli %scan3A_25, %mul3A_565 : i32
      %add3A_567 = arith.constant 13 : i32
      %add3A_568 = arith.addi %mul3A_566, %add3A_567 : i32
      %swap3A_569 = arith.constant 0 : i32
      %swap3A_570 = arith.index_cast %swap3A_569 : i32 to index
      %swap3A_571 = arith.index_cast %add3A_568 : i32 to index
      %swap3A_572 = memref.load %arg14[%swap3A_570, %swap3A_571] : memref<4x256xf32, #tpu.memory_space<smem>>
      memref.store %squeeze3A_564, %arg14[%swap3A_570, %swap3A_571] : memref<4x256xf32, #tpu.memory_space<smem>>
      %slice3A_573 = vector.extract_strided_slice %get3A_37 {offsets = [13], sizes = [1], strides = [1]} : vector<16xf32> to vector<1xf32>
      %squeeze3A_574 = vector.extract %slice3A_573[0] : f32 from vector<1xf32>
      %mul3A_575 = arith.constant 16 : i32
      %mul3A_576 = arith.muli %scan3A_25, %mul3A_575 : i32
      %add3A_577 = arith.constant 13 : i32
      %add3A_578 = arith.addi %mul3A_576, %add3A_577 : i32
      %swap3A_579 = arith.constant 1 : i32
      %swap3A_580 = arith.index_cast %swap3A_579 : i32 to index
      %swap3A_581 = arith.index_cast %add3A_578 : i32 to index
      %swap3A_582 = memref.load %arg14[%swap3A_580, %swap3A_581] : memref<4x256xf32, #tpu.memory_space<smem>>
      memref.store %squeeze3A_574, %arg14[%swap3A_580, %swap3A_581] : memref<4x256xf32, #tpu.memory_space<smem>>
      %slice3A_583 = vector.extract_strided_slice %get3A_42 {offsets = [13], sizes = [1], strides = [1]} : vector<16xf32> to vector<1xf32>
      %squeeze3A_584 = vector.extract %slice3A_583[0] : f32 from vector<1xf32>
      %mul3A_585 = arith.constant 16 : i32
      %mul3A_586 = arith.muli %scan3A_25, %mul3A_585 : i32
      %add3A_587 = arith.constant 13 : i32
      %add3A_588 = arith.addi %mul3A_586, %add3A_587 : i32
      %swap3A_589 = arith.constant 2 : i32
      %swap3A_590 = arith.index_cast %swap3A_589 : i32 to index
      %swap3A_591 = arith.index_cast %add3A_588 : i32 to index
      %swap3A_592 = memref.load %arg14[%swap3A_590, %swap3A_591] : memref<4x256xf32, #tpu.memory_space<smem>>
      memref.store %squeeze3A_584, %arg14[%swap3A_590, %swap3A_591] : memref<4x256xf32, #tpu.memory_space<smem>>
      %slice3A_593 = vector.extract_strided_slice %get3A_45 {offsets = [13], sizes = [1], strides = [1]} : vector<16xf32> to vector<1xf32>
      %squeeze3A_594 = vector.extract %slice3A_593[0] : f32 from vector<1xf32>
      %mul3A_595 = arith.constant 16 : i32
      %mul3A_596 = arith.muli %scan3A_25, %mul3A_595 : i32
      %add3A_597 = arith.constant 13 : i32
      %add3A_598 = arith.addi %mul3A_596, %add3A_597 : i32
      %swap3A_599 = arith.constant 3 : i32
      %swap3A_600 = arith.index_cast %swap3A_599 : i32 to index
      %swap3A_601 = arith.index_cast %add3A_598 : i32 to index
      %swap3A_602 = memref.load %arg14[%swap3A_600, %swap3A_601] : memref<4x256xf32, #tpu.memory_space<smem>>
      memref.store %squeeze3A_594, %arg14[%swap3A_600, %swap3A_601] : memref<4x256xf32, #tpu.memory_space<smem>>
      %slice3A_603 = vector.extract_strided_slice %get3A_32 {offsets = [14], sizes = [1], strides = [1]} : vector<16xf32> to vector<1xf32>
      %squeeze3A_604 = vector.extract %slice3A_603[0] : f32 from vector<1xf32>
      %mul3A_605 = arith.constant 16 : i32
      %mul3A_606 = arith.muli %scan3A_25, %mul3A_605 : i32
      %add3A_607 = arith.constant 14 : i32
      %add3A_608 = arith.addi %mul3A_606, %add3A_607 : i32
      %swap3A_609 = arith.constant 0 : i32
      %swap3A_610 = arith.index_cast %swap3A_609 : i32 to index
      %swap3A_611 = arith.index_cast %add3A_608 : i32 to index
      %swap3A_612 = memref.load %arg14[%swap3A_610, %swap3A_611] : memref<4x256xf32, #tpu.memory_space<smem>>
      memref.store %squeeze3A_604, %arg14[%swap3A_610, %swap3A_611] : memref<4x256xf32, #tpu.memory_space<smem>>
      %slice3A_613 = vector.extract_strided_slice %get3A_37 {offsets = [14], sizes = [1], strides = [1]} : vector<16xf32> to vector<1xf32>
      %squeeze3A_614 = vector.extract %slice3A_613[0] : f32 from vector<1xf32>
      %mul3A_615 = arith.constant 16 : i32
      %mul3A_616 = arith.muli %scan3A_25, %mul3A_615 : i32
      %add3A_617 = arith.constant 14 : i32
      %add3A_618 = arith.addi %mul3A_616, %add3A_617 : i32
      %swap3A_619 = arith.constant 1 : i32
      %swap3A_620 = arith.index_cast %swap3A_619 : i32 to index
      %swap3A_621 = arith.index_cast %add3A_618 : i32 to index
      %swap3A_622 = memref.load %arg14[%swap3A_620, %swap3A_621] : memref<4x256xf32, #tpu.memory_space<smem>>
      memref.store %squeeze3A_614, %arg14[%swap3A_620, %swap3A_621] : memref<4x256xf32, #tpu.memory_space<smem>>
      %slice3A_623 = vector.extract_strided_slice %get3A_42 {offsets = [14], sizes = [1], strides = [1]} : vector<16xf32> to vector<1xf32>
      %squeeze3A_624 = vector.extract %slice3A_623[0] : f32 from vector<1xf32>
      %mul3A_625 = arith.constant 16 : i32
      %mul3A_626 = arith.muli %scan3A_25, %mul3A_625 : i32
      %add3A_627 = arith.constant 14 : i32
      %add3A_628 = arith.addi %mul3A_626, %add3A_627 : i32
      %swap3A_629 = arith.constant 2 : i32
      %swap3A_630 = arith.index_cast %swap3A_629 : i32 to index
      %swap3A_631 = arith.index_cast %add3A_628 : i32 to index
      %swap3A_632 = memref.load %arg14[%swap3A_630, %swap3A_631] : memref<4x256xf32, #tpu.memory_space<smem>>
      memref.store %squeeze3A_624, %arg14[%swap3A_630, %swap3A_631] : memref<4x256xf32, #tpu.memory_space<smem>>
      %slice3A_633 = vector.extract_strided_slice %get3A_45 {offsets = [14], sizes = [1], strides = [1]} : vector<16xf32> to vector<1xf32>
      %squeeze3A_634 = vector.extract %slice3A_633[0] : f32 from vector<1xf32>
      %mul3A_635 = arith.constant 16 : i32
      %mul3A_636 = arith.muli %scan3A_25, %mul3A_635 : i32
      %add3A_637 = arith.constant 14 : i32
      %add3A_638 = arith.addi %mul3A_636, %add3A_637 : i32
      %swap3A_639 = arith.constant 3 : i32
      %swap3A_640 = arith.index_cast %swap3A_639 : i32 to index
      %swap3A_641 = arith.index_cast %add3A_638 : i32 to index
      %swap3A_642 = memref.load %arg14[%swap3A_640, %swap3A_641] : memref<4x256xf32, #tpu.memory_space<smem>>
      memref.store %squeeze3A_634, %arg14[%swap3A_640, %swap3A_641] : memref<4x256xf32, #tpu.memory_space<smem>>
      %slice3A_643 = vector.extract_strided_slice %get3A_32 {offsets = [15], sizes = [1], strides = [1]} : vector<16xf32> to vector<1xf32>
      %squeeze3A_644 = vector.extract %slice3A_643[0] : f32 from vector<1xf32>
      %mul3A_645 = arith.constant 16 : i32
      %mul3A_646 = arith.muli %scan3A_25, %mul3A_645 : i32
      %add3A_647 = arith.constant 15 : i32
      %add3A_648 = arith.addi %mul3A_646, %add3A_647 : i32
      %swap3A_649 = arith.constant 0 : i32
      %swap3A_650 = arith.index_cast %swap3A_649 : i32 to index
      %swap3A_651 = arith.index_cast %add3A_648 : i32 to index
      %swap3A_652 = memref.load %arg14[%swap3A_650, %swap3A_651] : memref<4x256xf32, #tpu.memory_space<smem>>
      memref.store %squeeze3A_644, %arg14[%swap3A_650, %swap3A_651] : memref<4x256xf32, #tpu.memory_space<smem>>
      %slice3A_653 = vector.extract_strided_slice %get3A_37 {offsets = [15], sizes = [1], strides = [1]} : vector<16xf32> to vector<1xf32>
      %squeeze3A_654 = vector.extract %slice3A_653[0] : f32 from vector<1xf32>
      %mul3A_655 = arith.constant 16 : i32
      %mul3A_656 = arith.muli %scan3A_25, %mul3A_655 : i32
      %add3A_657 = arith.constant 15 : i32
      %add3A_658 = arith.addi %mul3A_656, %add3A_657 : i32
      %swap3A_659 = arith.constant 1 : i32
      %swap3A_660 = arith.index_cast %swap3A_659 : i32 to index
      %swap3A_661 = arith.index_cast %add3A_658 : i32 to index
      %swap3A_662 = memref.load %arg14[%swap3A_660, %swap3A_661] : memref<4x256xf32, #tpu.memory_space<smem>>
      memref.store %squeeze3A_654, %arg14[%swap3A_660, %swap3A_661] : memref<4x256xf32, #tpu.memory_space<smem>>
      %slice3A_663 = vector.extract_strided_slice %get3A_42 {offsets = [15], sizes = [1], strides = [1]} : vector<16xf32> to vector<1xf32>
      %squeeze3A_664 = vector.extract %slice3A_663[0] : f32 from vector<1xf32>
      %mul3A_665 = arith.constant 16 : i32
      %mul3A_666 = arith.muli %scan3A_25, %mul3A_665 : i32
      %add3A_667 = arith.constant 15 : i32
      %add3A_668 = arith.addi %mul3A_666, %add3A_667 : i32
      %swap3A_669 = arith.constant 2 : i32
      %swap3A_670 = arith.index_cast %swap3A_669 : i32 to index
      %swap3A_671 = arith.index_cast %add3A_668 : i32 to index
      %swap3A_672 = memref.load %arg14[%swap3A_670, %swap3A_671] : memref<4x256xf32, #tpu.memory_space<smem>>
      memref.store %squeeze3A_664, %arg14[%swap3A_670, %swap3A_671] : memref<4x256xf32, #tpu.memory_space<smem>>
      %slice3A_673 = vector.extract_strided_slice %get3A_45 {offsets = [15], sizes = [1], strides = [1]} : vector<16xf32> to vector<1xf32>
      %squeeze3A_674 = vector.extract %slice3A_673[0] : f32 from vector<1xf32>
      %mul3A_675 = arith.constant 16 : i32
      %mul3A_676 = arith.muli %scan3A_25, %mul3A_675 : i32
      %add3A_677 = arith.constant 15 : i32
      %add3A_678 = arith.addi %mul3A_676, %add3A_677 : i32
      %swap3A_679 = arith.constant 3 : i32
      %swap3A_680 = arith.index_cast %swap3A_679 : i32 to index
      %swap3A_681 = arith.index_cast %add3A_678 : i32 to index
      %swap3A_682 = memref.load %arg14[%swap3A_680, %swap3A_681] : memref<4x256xf32, #tpu.memory_space<smem>>
      memref.store %squeeze3A_674, %arg14[%swap3A_680, %swap3A_681] : memref<4x256xf32, #tpu.memory_space<smem>>
      %scan3A_683 = arith.constant 0 : i32
      scf.yield %scan3A_683 : i32
    }
    %scan3A_10 = arith.constant 16 : i32
    %scan3A_11 = arith.constant 0 : i32
    %scan3A_12 = arith.constant 0 : i32
    %scan3A_13 = arith.constant 256 : i32
    %scan3A_14 = arith.addi %scan3A_12, %scan3A_13 : i32
    %scan3A_15 = arith.constant 1 : i32
    %scan3A_16 = scf.for %scan3A_25 = %scan3A_12 to %scan3A_14 step %scan3A_15 iter_args(%scan3A_26 = %scan3A_11) -> (i32)  : i32 {
      %swap3A = arith.index_cast %scan3A_25 : i32 to index
      %swap3A_27 = arith.constant 0 : index
      %swap3A_28 = tpu.vector_load %arg12[%swap3A, %swap3A_27] {strides = array<i32>} : memref<256x16xf32, #tpu.memory_space<vmem>>, vector<1x16xf32>,
      %swap3A_29 = vector.shape_cast %swap3A_28 : vector<1x16xf32> to vector<16xf32>
      %swap3A_30 = vector.shape_cast %broadcast_in_dim3A_4 : vector<16xf32> to vector<1x16xf32>
      tpu.vector_store %arg12[%swap3A, %swap3A_27], %swap3A_30 {strides = array<i32>} : memref<256x16xf32, #tpu.memory_space<vmem>>, vector<1x16xf32>,
      %scan3A_31 = arith.constant 0 : i32
      scf.yield %scan3A_31 : i32
    }
    %scan3A_17 = arith.constant 256 : i32
    %scan3A_18 = arith.constant 0 : i32
    %scan3A_19 = arith.constant 0 : i32
    %scan3A_20 = arith.constant 128 : i32
    %scan3A_21 = arith.addi %scan3A_19, %scan3A_20 : i32
    %scan3A_22 = arith.constant 1 : i32
    %scan3A_23 = scf.for %scan3A_25 = %scan3A_19 to %scan3A_21 step %scan3A_22 iter_args(%scan3A_26 = %scan3A_18) -> (i32)  : i32 {
      %mul3A_27 = arith.constant 16 : i32
      %mul3A_28 = arith.muli %scan3A_25, %mul3A_27 : i32
      %get3A = arith.constant 0 : i32
      %get3A_29 = arith.index_cast %get3A : i32 to index
      %get3A_30 = arith.index_cast %mul3A_28 : i32 to index
      %get3A_31 = tpu.vector_load %arg9[%get3A_29, %get3A_30] {strides = array<i32>} : memref<3x2048xf32, #tpu.memory_space<vmem>>, vector<1x16xf32>,
      %get3A_32 = vector.shape_cast %get3A_31 : vector<1x16xf32> to vector<16xf32>
      %get3A_33 = arith.constant 1 : i32
      %get3A_34 = arith.index_cast %get3A_33 : i32 to index
      %get3A_35 = arith.index_cast %mul3A_28 : i32 to index
      %get3A_36 = tpu.vector_load %arg9[%get3A_34, %get3A_35] {strides = array<i32>} : memref<3x2048xf32, #tpu.memory_space<vmem>>, vector<1x16xf32>,
      %get3A_37 = vector.shape_cast %get3A_36 : vector<1x16xf32> to vector<16xf32>
      %get3A_38 = arith.constant 2 : i32
      %get3A_39 = arith.index_cast %get3A_38 : i32 to index
      %get3A_40 = arith.index_cast %mul3A_28 : i32 to index
      %get3A_41 = tpu.vector_load %arg9[%get3A_39, %get3A_40] {strides = array<i32>} : memref<3x2048xf32, #tpu.memory_space<vmem>>, vector<1x16xf32>,
      %get3A_42 = vector.shape_cast %get3A_41 : vector<1x16xf32> to vector<16xf32>
      %get3A_43 = arith.index_cast %mul3A_28 : i32 to index
      %get3A_44 = tpu.vector_load %arg11[%get3A_43] {strides = array<i32>} : memref<2048xf32, #tpu.memory_space<vmem>>, vector<16xf32>,
      %get3A_45 = vector.shape_cast %get3A_44 : vector<16xf32> to vector<16xf32>
      %scan3A_46 = arith.constant 0 : i32
      %scan3A_47 = arith.constant 256 : i32
      %scan3A_48 = arith.addi %scan3A_46, %scan3A_47 : i32
      %scan3A_49 = arith.constant 8 : i32
      %scan3A_50 = scf.for %scan3A_56 = %scan3A_46 to %scan3A_48 step %scan3A_49 iter_args(%scan3A_57 = %broadcast_in_dim3A_4) -> (vector<16xf32>)  : i32 {
        %get3A_58 = arith.constant 3 : i32
        %get3A_59 = arith.index_cast %get3A_58 : i32 to index
        %get3A_60 = arith.index_cast %scan3A_56 : i32 to index
        %get3A_61 = memref.load %arg14[%get3A_59, %get3A_60] : memref<4x256xf32, #tpu.memory_space<smem>>
        %add3A_62 = vector.broadcast %get3A_61 : f32 to vector<16xf32>
        %add3A_63 = arith.addf %get3A_45, %add3A_62 : vector<16xf32>
        %get3A_64 = arith.constant 0 : i32
        %get3A_65 = arith.index_cast %get3A_64 : i32 to index
        %get3A_66 = arith.index_cast %scan3A_56 : i32 to index
        %get3A_67 = memref.load %arg14[%get3A_65, %get3A_66] : memref<4x256xf32, #tpu.memory_space<smem>>
        %mul3A_68 = vector.broadcast %get3A_67 : f32 to vector<16xf32>
        %mul3A_69 = arith.mulf %get3A_32, %mul3A_68 : vector<16xf32>
        %get3A_70 = arith.constant 1 : i32
        %get3A_71 = arith.index_cast %get3A_70 : i32 to index
        %get3A_72 = arith.index_cast %scan3A_56 : i32 to index
        %get3A_73 = memref.load %arg14[%get3A_71, %get3A_72] : memref<4x256xf32, #tpu.memory_space<smem>>
        %mul3A_74 = vector.broadcast %get3A_73 : f32 to vector<16xf32>
        %mul3A_75 = arith.mulf %get3A_37, %mul3A_74 : vector<16xf32>
        %add3A_76 = arith.addf %mul3A_69, %mul3A_75 : vector<16xf32>
        %get3A_77 = arith.constant 2 : i32
        %get3A_78 = arith.index_cast %get3A_77 : i32 to index
        %get3A_79 = arith.index_cast %scan3A_56 : i32 to index
        %get3A_80 = memref.load %arg14[%get3A_78, %get3A_79] : memref<4x256xf32, #tpu.memory_space<smem>>
        %mul3A_81 = vector.broadcast %get3A_80 : f32 to vector<16xf32>
        %mul3A_82 = arith.mulf %get3A_42, %mul3A_81 : vector<16xf32>
        %add3A_83 = arith.addf %add3A_76, %mul3A_82 : vector<16xf32>
        %add3A_84 = arith.addf %add3A_63, %add3A_83 : vector<16xf32>
        %min3A = arith.minimumf %scan3A_57, %add3A_84 : vector<16xf32>
        %get3A_85 = arith.index_cast %scan3A_56 : i32 to index
        %get3A_86 = arith.constant 0 : index
        %get3A_87 = tpu.vector_load %arg12[%get3A_85, %get3A_86] {strides = array<i32>} : memref<256x16xf32, #tpu.memory_space<vmem>>, vector<1x16xf32>,
        %get3A_88 = vector.shape_cast %get3A_87 : vector<1x16xf32> to vector<16xf32>
        %min3A_89 = arith.minimumf %get3A_88, %add3A_84 : vector<16xf32>
        %swap3A_90 = arith.index_cast %scan3A_56 : i32 to index
        %swap3A_91 = arith.constant 0 : index
        %swap3A_92 = tpu.vector_load %arg12[%swap3A_90, %swap3A_91] {strides = array<i32>} : memref<256x16xf32, #tpu.memory_space<vmem>>, vector<1x16xf32>,
        %swap3A_93 = vector.shape_cast %swap3A_92 : vector<1x16xf32> to vector<16xf32>
        %swap3A_94 = vector.shape_cast %min3A_89 : vector<16xf32> to vector<1x16xf32>
        tpu.vector_store %arg12[%swap3A_90, %swap3A_91], %swap3A_94 {strides = array<i32>} : memref<256x16xf32, #tpu.memory_space<vmem>>, vector<1x16xf32>,
        %scan3A_95 = arith.constant 1 : i32
        %scan3A_96 = arith.addi %scan3A_56, %scan3A_95 : i32
        %get3A_97 = arith.constant 3 : i32
        %get3A_98 = arith.index_cast %get3A_97 : i32 to index
        %get3A_99 = arith.index_cast %scan3A_96 : i32 to index
        %get3A_100 = memref.load %arg14[%get3A_98, %get3A_99] : memref<4x256xf32, #tpu.memory_space<smem>>
        %add3A_101 = vector.broadcast %get3A_100 : f32 to vector<16xf32>
        %add3A_102 = arith.addf %get3A_45, %add3A_101 : vector<16xf32>
        %get3A_103 = arith.constant 0 : i32
        %get3A_104 = arith.index_cast %get3A_103 : i32 to index
        %get3A_105 = arith.index_cast %scan3A_96 : i32 to index
        %get3A_106 = memref.load %arg14[%get3A_104, %get3A_105] : memref<4x256xf32, #tpu.memory_space<smem>>
        %mul3A_107 = vector.broadcast %get3A_106 : f32 to vector<16xf32>
        %mul3A_108 = arith.mulf %get3A_32, %mul3A_107 : vector<16xf32>
        %get3A_109 = arith.constant 1 : i32
        %get3A_110 = arith.index_cast %get3A_109 : i32 to index
        %get3A_111 = arith.index_cast %scan3A_96 : i32 to index
        %get3A_112 = memref.load %arg14[%get3A_110, %get3A_111] : memref<4x256xf32, #tpu.memory_space<smem>>
        %mul3A_113 = vector.broadcast %get3A_112 : f32 to vector<16xf32>
        %mul3A_114 = arith.mulf %get3A_37, %mul3A_113 : vector<16xf32>
        %add3A_115 = arith.addf %mul3A_108, %mul3A_114 : vector<16xf32>
        %get3A_116 = arith.constant 2 : i32
        %get3A_117 = arith.index_cast %get3A_116 : i32 to index
        %get3A_118 = arith.index_cast %scan3A_96 : i32 to index
        %get3A_119 = memref.load %arg14[%get3A_117, %get3A_118] : memref<4x256xf32, #tpu.memory_space<smem>>
        %mul3A_120 = vector.broadcast %get3A_119 : f32 to vector<16xf32>
        %mul3A_121 = arith.mulf %get3A_42, %mul3A_120 : vector<16xf32>
        %add3A_122 = arith.addf %add3A_115, %mul3A_121 : vector<16xf32>
        %add3A_123 = arith.addf %add3A_102, %add3A_122 : vector<16xf32>
        %min3A_124 = arith.minimumf %min3A, %add3A_123 : vector<16xf32>
        %get3A_125 = arith.index_cast %scan3A_96 : i32 to index
        %get3A_126 = arith.constant 0 : index
        %get3A_127 = tpu.vector_load %arg12[%get3A_125, %get3A_126] {strides = array<i32>} : memref<256x16xf32, #tpu.memory_space<vmem>>, vector<1x16xf32>,
        %get3A_128 = vector.shape_cast %get3A_127 : vector<1x16xf32> to vector<16xf32>
        %min3A_129 = arith.minimumf %get3A_128, %add3A_123 : vector<16xf32>
        %swap3A_130 = arith.index_cast %scan3A_96 : i32 to index
        %swap3A_131 = arith.constant 0 : index
        %swap3A_132 = tpu.vector_load %arg12[%swap3A_130, %swap3A_131] {strides = array<i32>} : memref<256x16xf32, #tpu.memory_space<vmem>>, vector<1x16xf32>,
        %swap3A_133 = vector.shape_cast %swap3A_132 : vector<1x16xf32> to vector<16xf32>
        %swap3A_134 = vector.shape_cast %min3A_129 : vector<16xf32> to vector<1x16xf32>
        tpu.vector_store %arg12[%swap3A_130, %swap3A_131], %swap3A_134 {strides = array<i32>} : memref<256x16xf32, #tpu.memory_space<vmem>>, vector<1x16xf32>,
        %scan3A_135 = arith.constant 2 : i32
        %scan3A_136 = arith.addi %scan3A_56, %scan3A_135 : i32
        %get3A_137 = arith.constant 3 : i32
        %get3A_138 = arith.index_cast %get3A_137 : i32 to index
        %get3A_139 = arith.index_cast %scan3A_136 : i32 to index
        %get3A_140 = memref.load %arg14[%get3A_138, %get3A_139] : memref<4x256xf32, #tpu.memory_space<smem>>
        %add3A_141 = vector.broadcast %get3A_140 : f32 to vector<16xf32>
        %add3A_142 = arith.addf %get3A_45, %add3A_141 : vector<16xf32>
        %get3A_143 = arith.constant 0 : i32
        %get3A_144 = arith.index_cast %get3A_143 : i32 to index
        %get3A_145 = arith.index_cast %scan3A_136 : i32 to index
        %get3A_146 = memref.load %arg14[%get3A_144, %get3A_145] : memref<4x256xf32, #tpu.memory_space<smem>>
        %mul3A_147 = vector.broadcast %get3A_146 : f32 to vector<16xf32>
        %mul3A_148 = arith.mulf %get3A_32, %mul3A_147 : vector<16xf32>
        %get3A_149 = arith.constant 1 : i32
        %get3A_150 = arith.index_cast %get3A_149 : i32 to index
        %get3A_151 = arith.index_cast %scan3A_136 : i32 to index
        %get3A_152 = memref.load %arg14[%get3A_150, %get3A_151] : memref<4x256xf32, #tpu.memory_space<smem>>
        %mul3A_153 = vector.broadcast %get3A_152 : f32 to vector<16xf32>
        %mul3A_154 = arith.mulf %get3A_37, %mul3A_153 : vector<16xf32>
        %add3A_155 = arith.addf %mul3A_148, %mul3A_154 : vector<16xf32>
        %get3A_156 = arith.constant 2 : i32
        %get3A_157 = arith.index_cast %get3A_156 : i32 to index
        %get3A_158 = arith.index_cast %scan3A_136 : i32 to index
        %get3A_159 = memref.load %arg14[%get3A_157, %get3A_158] : memref<4x256xf32, #tpu.memory_space<smem>>
        %mul3A_160 = vector.broadcast %get3A_159 : f32 to vector<16xf32>
        %mul3A_161 = arith.mulf %get3A_42, %mul3A_160 : vector<16xf32>
        %add3A_162 = arith.addf %add3A_155, %mul3A_161 : vector<16xf32>
        %add3A_163 = arith.addf %add3A_142, %add3A_162 : vector<16xf32>
        %min3A_164 = arith.minimumf %min3A_124, %add3A_163 : vector<16xf32>
        %get3A_165 = arith.index_cast %scan3A_136 : i32 to index
        %get3A_166 = arith.constant 0 : index
        %get3A_167 = tpu.vector_load %arg12[%get3A_165, %get3A_166] {strides = array<i32>} : memref<256x16xf32, #tpu.memory_space<vmem>>, vector<1x16xf32>,
        %get3A_168 = vector.shape_cast %get3A_167 : vector<1x16xf32> to vector<16xf32>
        %min3A_169 = arith.minimumf %get3A_168, %add3A_163 : vector<16xf32>
        %swap3A_170 = arith.index_cast %scan3A_136 : i32 to index
        %swap3A_171 = arith.constant 0 : index
        %swap3A_172 = tpu.vector_load %arg12[%swap3A_170, %swap3A_171] {strides = array<i32>} : memref<256x16xf32, #tpu.memory_space<vmem>>, vector<1x16xf32>,
        %swap3A_173 = vector.shape_cast %swap3A_172 : vector<1x16xf32> to vector<16xf32>
        %swap3A_174 = vector.shape_cast %min3A_169 : vector<16xf32> to vector<1x16xf32>
        tpu.vector_store %arg12[%swap3A_170, %swap3A_171], %swap3A_174 {strides = array<i32>} : memref<256x16xf32, #tpu.memory_space<vmem>>, vector<1x16xf32>,
        %scan3A_175 = arith.constant 3 : i32
        %scan3A_176 = arith.addi %scan3A_56, %scan3A_175 : i32
        %get3A_177 = arith.constant 3 : i32
        %get3A_178 = arith.index_cast %get3A_177 : i32 to index
        %get3A_179 = arith.index_cast %scan3A_176 : i32 to index
        %get3A_180 = memref.load %arg14[%get3A_178, %get3A_179] : memref<4x256xf32, #tpu.memory_space<smem>>
        %add3A_181 = vector.broadcast %get3A_180 : f32 to vector<16xf32>
        %add3A_182 = arith.addf %get3A_45, %add3A_181 : vector<16xf32>
        %get3A_183 = arith.constant 0 : i32
        %get3A_184 = arith.index_cast %get3A_183 : i32 to index
        %get3A_185 = arith.index_cast %scan3A_176 : i32 to index
        %get3A_186 = memref.load %arg14[%get3A_184, %get3A_185] : memref<4x256xf32, #tpu.memory_space<smem>>
        %mul3A_187 = vector.broadcast %get3A_186 : f32 to vector<16xf32>
        %mul3A_188 = arith.mulf %get3A_32, %mul3A_187 : vector<16xf32>
        %get3A_189 = arith.constant 1 : i32
        %get3A_190 = arith.index_cast %get3A_189 : i32 to index
        %get3A_191 = arith.index_cast %scan3A_176 : i32 to index
        %get3A_192 = memref.load %arg14[%get3A_190, %get3A_191] : memref<4x256xf32, #tpu.memory_space<smem>>
        %mul3A_193 = vector.broadcast %get3A_192 : f32 to vector<16xf32>
        %mul3A_194 = arith.mulf %get3A_37, %mul3A_193 : vector<16xf32>
        %add3A_195 = arith.addf %mul3A_188, %mul3A_194 : vector<16xf32>
        %get3A_196 = arith.constant 2 : i32
        %get3A_197 = arith.index_cast %get3A_196 : i32 to index
        %get3A_198 = arith.index_cast %scan3A_176 : i32 to index
        %get3A_199 = memref.load %arg14[%get3A_197, %get3A_198] : memref<4x256xf32, #tpu.memory_space<smem>>
        %mul3A_200 = vector.broadcast %get3A_199 : f32 to vector<16xf32>
        %mul3A_201 = arith.mulf %get3A_42, %mul3A_200 : vector<16xf32>
        %add3A_202 = arith.addf %add3A_195, %mul3A_201 : vector<16xf32>
        %add3A_203 = arith.addf %add3A_182, %add3A_202 : vector<16xf32>
        %min3A_204 = arith.minimumf %min3A_164, %add3A_203 : vector<16xf32>
        %get3A_205 = arith.index_cast %scan3A_176 : i32 to index
        %get3A_206 = arith.constant 0 : index
        %get3A_207 = tpu.vector_load %arg12[%get3A_205, %get3A_206] {strides = array<i32>} : memref<256x16xf32, #tpu.memory_space<vmem>>, vector<1x16xf32>,
        %get3A_208 = vector.shape_cast %get3A_207 : vector<1x16xf32> to vector<16xf32>
        %min3A_209 = arith.minimumf %get3A_208, %add3A_203 : vector<16xf32>
        %swap3A_210 = arith.index_cast %scan3A_176 : i32 to index
        %swap3A_211 = arith.constant 0 : index
        %swap3A_212 = tpu.vector_load %arg12[%swap3A_210, %swap3A_211] {strides = array<i32>} : memref<256x16xf32, #tpu.memory_space<vmem>>, vector<1x16xf32>,
        %swap3A_213 = vector.shape_cast %swap3A_212 : vector<1x16xf32> to vector<16xf32>
        %swap3A_214 = vector.shape_cast %min3A_209 : vector<16xf32> to vector<1x16xf32>
        tpu.vector_store %arg12[%swap3A_210, %swap3A_211], %swap3A_214 {strides = array<i32>} : memref<256x16xf32, #tpu.memory_space<vmem>>, vector<1x16xf32>,
        %scan3A_215 = arith.constant 4 : i32
        %scan3A_216 = arith.addi %scan3A_56, %scan3A_215 : i32
        %get3A_217 = arith.constant 3 : i32
        %get3A_218 = arith.index_cast %get3A_217 : i32 to index
        %get3A_219 = arith.index_cast %scan3A_216 : i32 to index
        %get3A_220 = memref.load %arg14[%get3A_218, %get3A_219] : memref<4x256xf32, #tpu.memory_space<smem>>
        %add3A_221 = vector.broadcast %get3A_220 : f32 to vector<16xf32>
        %add3A_222 = arith.addf %get3A_45, %add3A_221 : vector<16xf32>
        %get3A_223 = arith.constant 0 : i32
        %get3A_224 = arith.index_cast %get3A_223 : i32 to index
        %get3A_225 = arith.index_cast %scan3A_216 : i32 to index
        %get3A_226 = memref.load %arg14[%get3A_224, %get3A_225] : memref<4x256xf32, #tpu.memory_space<smem>>
        %mul3A_227 = vector.broadcast %get3A_226 : f32 to vector<16xf32>
        %mul3A_228 = arith.mulf %get3A_32, %mul3A_227 : vector<16xf32>
        %get3A_229 = arith.constant 1 : i32
        %get3A_230 = arith.index_cast %get3A_229 : i32 to index
        %get3A_231 = arith.index_cast %scan3A_216 : i32 to index
        %get3A_232 = memref.load %arg14[%get3A_230, %get3A_231] : memref<4x256xf32, #tpu.memory_space<smem>>
        %mul3A_233 = vector.broadcast %get3A_232 : f32 to vector<16xf32>
        %mul3A_234 = arith.mulf %get3A_37, %mul3A_233 : vector<16xf32>
        %add3A_235 = arith.addf %mul3A_228, %mul3A_234 : vector<16xf32>
        %get3A_236 = arith.constant 2 : i32
        %get3A_237 = arith.index_cast %get3A_236 : i32 to index
        %get3A_238 = arith.index_cast %scan3A_216 : i32 to index
        %get3A_239 = memref.load %arg14[%get3A_237, %get3A_238] : memref<4x256xf32, #tpu.memory_space<smem>>
        %mul3A_240 = vector.broadcast %get3A_239 : f32 to vector<16xf32>
        %mul3A_241 = arith.mulf %get3A_42, %mul3A_240 : vector<16xf32>
        %add3A_242 = arith.addf %add3A_235, %mul3A_241 : vector<16xf32>
        %add3A_243 = arith.addf %add3A_222, %add3A_242 : vector<16xf32>
        %min3A_244 = arith.minimumf %min3A_204, %add3A_243 : vector<16xf32>
        %get3A_245 = arith.index_cast %scan3A_216 : i32 to index
        %get3A_246 = arith.constant 0 : index
        %get3A_247 = tpu.vector_load %arg12[%get3A_245, %get3A_246] {strides = array<i32>} : memref<256x16xf32, #tpu.memory_space<vmem>>, vector<1x16xf32>,
        %get3A_248 = vector.shape_cast %get3A_247 : vector<1x16xf32> to vector<16xf32>
        %min3A_249 = arith.minimumf %get3A_248, %add3A_243 : vector<16xf32>
        %swap3A_250 = arith.index_cast %scan3A_216 : i32 to index
        %swap3A_251 = arith.constant 0 : index
        %swap3A_252 = tpu.vector_load %arg12[%swap3A_250, %swap3A_251] {strides = array<i32>} : memref<256x16xf32, #tpu.memory_space<vmem>>, vector<1x16xf32>,
        %swap3A_253 = vector.shape_cast %swap3A_252 : vector<1x16xf32> to vector<16xf32>
        %swap3A_254 = vector.shape_cast %min3A_249 : vector<16xf32> to vector<1x16xf32>
        tpu.vector_store %arg12[%swap3A_250, %swap3A_251], %swap3A_254 {strides = array<i32>} : memref<256x16xf32, #tpu.memory_space<vmem>>, vector<1x16xf32>,
        %scan3A_255 = arith.constant 5 : i32
        %scan3A_256 = arith.addi %scan3A_56, %scan3A_255 : i32
        %get3A_257 = arith.constant 3 : i32
        %get3A_258 = arith.index_cast %get3A_257 : i32 to index
        %get3A_259 = arith.index_cast %scan3A_256 : i32 to index
        %get3A_260 = memref.load %arg14[%get3A_258, %get3A_259] : memref<4x256xf32, #tpu.memory_space<smem>>
        %add3A_261 = vector.broadcast %get3A_260 : f32 to vector<16xf32>
        %add3A_262 = arith.addf %get3A_45, %add3A_261 : vector<16xf32>
        %get3A_263 = arith.constant 0 : i32
        %get3A_264 = arith.index_cast %get3A_263 : i32 to index
        %get3A_265 = arith.index_cast %scan3A_256 : i32 to index
        %get3A_266 = memref.load %arg14[%get3A_264, %get3A_265] : memref<4x256xf32, #tpu.memory_space<smem>>
        %mul3A_267 = vector.broadcast %get3A_266 : f32 to vector<16xf32>
        %mul3A_268 = arith.mulf %get3A_32, %mul3A_267 : vector<16xf32>
        %get3A_269 = arith.constant 1 : i32
        %get3A_270 = arith.index_cast %get3A_269 : i32 to index
        %get3A_271 = arith.index_cast %scan3A_256 : i32 to index
        %get3A_272 = memref.load %arg14[%get3A_270, %get3A_271] : memref<4x256xf32, #tpu.memory_space<smem>>
        %mul3A_273 = vector.broadcast %get3A_272 : f32 to vector<16xf32>
        %mul3A_274 = arith.mulf %get3A_37, %mul3A_273 : vector<16xf32>
        %add3A_275 = arith.addf %mul3A_268, %mul3A_274 : vector<16xf32>
        %get3A_276 = arith.constant 2 : i32
        %get3A_277 = arith.index_cast %get3A_276 : i32 to index
        %get3A_278 = arith.index_cast %scan3A_256 : i32 to index
        %get3A_279 = memref.load %arg14[%get3A_277, %get3A_278] : memref<4x256xf32, #tpu.memory_space<smem>>
        %mul3A_280 = vector.broadcast %get3A_279 : f32 to vector<16xf32>
        %mul3A_281 = arith.mulf %get3A_42, %mul3A_280 : vector<16xf32>
        %add3A_282 = arith.addf %add3A_275, %mul3A_281 : vector<16xf32>
        %add3A_283 = arith.addf %add3A_262, %add3A_282 : vector<16xf32>
        %min3A_284 = arith.minimumf %min3A_244, %add3A_283 : vector<16xf32>
        %get3A_285 = arith.index_cast %scan3A_256 : i32 to index
        %get3A_286 = arith.constant 0 : index
        %get3A_287 = tpu.vector_load %arg12[%get3A_285, %get3A_286] {strides = array<i32>} : memref<256x16xf32, #tpu.memory_space<vmem>>, vector<1x16xf32>,
        %get3A_288 = vector.shape_cast %get3A_287 : vector<1x16xf32> to vector<16xf32>
        %min3A_289 = arith.minimumf %get3A_288, %add3A_283 : vector<16xf32>
        %swap3A_290 = arith.index_cast %scan3A_256 : i32 to index
        %swap3A_291 = arith.constant 0 : index
        %swap3A_292 = tpu.vector_load %arg12[%swap3A_290, %swap3A_291] {strides = array<i32>} : memref<256x16xf32, #tpu.memory_space<vmem>>, vector<1x16xf32>,
        %swap3A_293 = vector.shape_cast %swap3A_292 : vector<1x16xf32> to vector<16xf32>
        %swap3A_294 = vector.shape_cast %min3A_289 : vector<16xf32> to vector<1x16xf32>
        tpu.vector_store %arg12[%swap3A_290, %swap3A_291], %swap3A_294 {strides = array<i32>} : memref<256x16xf32, #tpu.memory_space<vmem>>, vector<1x16xf32>,
        %scan3A_295 = arith.constant 6 : i32
        %scan3A_296 = arith.addi %scan3A_56, %scan3A_295 : i32
        %get3A_297 = arith.constant 3 : i32
        %get3A_298 = arith.index_cast %get3A_297 : i32 to index
        %get3A_299 = arith.index_cast %scan3A_296 : i32 to index
        %get3A_300 = memref.load %arg14[%get3A_298, %get3A_299] : memref<4x256xf32, #tpu.memory_space<smem>>
        %add3A_301 = vector.broadcast %get3A_300 : f32 to vector<16xf32>
        %add3A_302 = arith.addf %get3A_45, %add3A_301 : vector<16xf32>
        %get3A_303 = arith.constant 0 : i32
        %get3A_304 = arith.index_cast %get3A_303 : i32 to index
        %get3A_305 = arith.index_cast %scan3A_296 : i32 to index
        %get3A_306 = memref.load %arg14[%get3A_304, %get3A_305] : memref<4x256xf32, #tpu.memory_space<smem>>
        %mul3A_307 = vector.broadcast %get3A_306 : f32 to vector<16xf32>
        %mul3A_308 = arith.mulf %get3A_32, %mul3A_307 : vector<16xf32>
        %get3A_309 = arith.constant 1 : i32
        %get3A_310 = arith.index_cast %get3A_309 : i32 to index
        %get3A_311 = arith.index_cast %scan3A_296 : i32 to index
        %get3A_312 = memref.load %arg14[%get3A_310, %get3A_311] : memref<4x256xf32, #tpu.memory_space<smem>>
        %mul3A_313 = vector.broadcast %get3A_312 : f32 to vector<16xf32>
        %mul3A_314 = arith.mulf %get3A_37, %mul3A_313 : vector<16xf32>
        %add3A_315 = arith.addf %mul3A_308, %mul3A_314 : vector<16xf32>
        %get3A_316 = arith.constant 2 : i32
        %get3A_317 = arith.index_cast %get3A_316 : i32 to index
        %get3A_318 = arith.index_cast %scan3A_296 : i32 to index
        %get3A_319 = memref.load %arg14[%get3A_317, %get3A_318] : memref<4x256xf32, #tpu.memory_space<smem>>
        %mul3A_320 = vector.broadcast %get3A_319 : f32 to vector<16xf32>
        %mul3A_321 = arith.mulf %get3A_42, %mul3A_320 : vector<16xf32>
        %add3A_322 = arith.addf %add3A_315, %mul3A_321 : vector<16xf32>
        %add3A_323 = arith.addf %add3A_302, %add3A_322 : vector<16xf32>
        %min3A_324 = arith.minimumf %min3A_284, %add3A_323 : vector<16xf32>
        %get3A_325 = arith.index_cast %scan3A_296 : i32 to index
        %get3A_326 = arith.constant 0 : index
        %get3A_327 = tpu.vector_load %arg12[%get3A_325, %get3A_326] {strides = array<i32>} : memref<256x16xf32, #tpu.memory_space<vmem>>, vector<1x16xf32>,
        %get3A_328 = vector.shape_cast %get3A_327 : vector<1x16xf32> to vector<16xf32>
        %min3A_329 = arith.minimumf %get3A_328, %add3A_323 : vector<16xf32>
        %swap3A_330 = arith.index_cast %scan3A_296 : i32 to index
        %swap3A_331 = arith.constant 0 : index
        %swap3A_332 = tpu.vector_load %arg12[%swap3A_330, %swap3A_331] {strides = array<i32>} : memref<256x16xf32, #tpu.memory_space<vmem>>, vector<1x16xf32>,
        %swap3A_333 = vector.shape_cast %swap3A_332 : vector<1x16xf32> to vector<16xf32>
        %swap3A_334 = vector.shape_cast %min3A_329 : vector<16xf32> to vector<1x16xf32>
        tpu.vector_store %arg12[%swap3A_330, %swap3A_331], %swap3A_334 {strides = array<i32>} : memref<256x16xf32, #tpu.memory_space<vmem>>, vector<1x16xf32>,
        %scan3A_335 = arith.constant 7 : i32
        %scan3A_336 = arith.addi %scan3A_56, %scan3A_335 : i32
        %get3A_337 = arith.constant 3 : i32
        %get3A_338 = arith.index_cast %get3A_337 : i32 to index
        %get3A_339 = arith.index_cast %scan3A_336 : i32 to index
        %get3A_340 = memref.load %arg14[%get3A_338, %get3A_339] : memref<4x256xf32, #tpu.memory_space<smem>>
        %add3A_341 = vector.broadcast %get3A_340 : f32 to vector<16xf32>
        %add3A_342 = arith.addf %get3A_45, %add3A_341 : vector<16xf32>
        %get3A_343 = arith.constant 0 : i32
        %get3A_344 = arith.index_cast %get3A_343 : i32 to index
        %get3A_345 = arith.index_cast %scan3A_336 : i32 to index
        %get3A_346 = memref.load %arg14[%get3A_344, %get3A_345] : memref<4x256xf32, #tpu.memory_space<smem>>
        %mul3A_347 = vector.broadcast %get3A_346 : f32 to vector<16xf32>
        %mul3A_348 = arith.mulf %get3A_32, %mul3A_347 : vector<16xf32>
        %get3A_349 = arith.constant 1 : i32
        %get3A_350 = arith.index_cast %get3A_349 : i32 to index
        %get3A_351 = arith.index_cast %scan3A_336 : i32 to index
        %get3A_352 = memref.load %arg14[%get3A_350, %get3A_351] : memref<4x256xf32, #tpu.memory_space<smem>>
        %mul3A_353 = vector.broadcast %get3A_352 : f32 to vector<16xf32>
        %mul3A_354 = arith.mulf %get3A_37, %mul3A_353 : vector<16xf32>
        %add3A_355 = arith.addf %mul3A_348, %mul3A_354 : vector<16xf32>
        %get3A_356 = arith.constant 2 : i32
        %get3A_357 = arith.index_cast %get3A_356 : i32 to index
        %get3A_358 = arith.index_cast %scan3A_336 : i32 to index
        %get3A_359 = memref.load %arg14[%get3A_357, %get3A_358] : memref<4x256xf32, #tpu.memory_space<smem>>
        %mul3A_360 = vector.broadcast %get3A_359 : f32 to vector<16xf32>
        %mul3A_361 = arith.mulf %get3A_42, %mul3A_360 : vector<16xf32>
        %add3A_362 = arith.addf %add3A_355, %mul3A_361 : vector<16xf32>
        %add3A_363 = arith.addf %add3A_342, %add3A_362 : vector<16xf32>
        %min3A_364 = arith.minimumf %min3A_324, %add3A_363 : vector<16xf32>
        %get3A_365 = arith.index_cast %scan3A_336 : i32 to index
        %get3A_366 = arith.constant 0 : index
        %get3A_367 = tpu.vector_load %arg12[%get3A_365, %get3A_366] {strides = array<i32>} : memref<256x16xf32, #tpu.memory_space<vmem>>, vector<1x16xf32>,
        %get3A_368 = vector.shape_cast %get3A_367 : vector<1x16xf32> to vector<16xf32>
        %min3A_369 = arith.minimumf %get3A_368, %add3A_363 : vector<16xf32>
        %swap3A_370 = arith.index_cast %scan3A_336 : i32 to index
        %swap3A_371 = arith.constant 0 : index
        %swap3A_372 = tpu.vector_load %arg12[%swap3A_370, %swap3A_371] {strides = array<i32>} : memref<256x16xf32, #tpu.memory_space<vmem>>, vector<1x16xf32>,
        %swap3A_373 = vector.shape_cast %swap3A_372 : vector<1x16xf32> to vector<16xf32>
        %swap3A_374 = vector.shape_cast %min3A_369 : vector<16xf32> to vector<1x16xf32>
        tpu.vector_store %arg12[%swap3A_370, %swap3A_371], %swap3A_374 {strides = array<i32>} : memref<256x16xf32, #tpu.memory_space<vmem>>, vector<1x16xf32>,
        scf.yield %min3A_364 : vector<16xf32>
      }
      %scan3A_51 = arith.constant 256 : i32
      %swap3A = arith.index_cast %mul3A_28 : i32 to index
      %swap3A_52 = tpu.vector_load %arg13[%swap3A] {strides = array<i32>} : memref<2048xf32, #tpu.memory_space<vmem>>, vector<16xf32>,
      %swap3A_53 = vector.shape_cast %swap3A_52 : vector<16xf32> to vector<16xf32>
      %swap3A_54 = vector.shape_cast %scan3A_50 : vector<16xf32> to vector<16xf32>
      tpu.vector_store %arg13[%swap3A], %swap3A_54 {strides = array<i32>} : memref<2048xf32, #tpu.memory_space<vmem>>, vector<16xf32>,
      %scan3A_55 = arith.constant 0 : i32
      scf.yield %scan3A_55 : i32
    }
    %scan3A_24 = arith.constant 128 : i32
    "tpu.region"() ({
      %run_scoped3A_25 = tpu.sem_alloc : memref<!tpu.dma_semaphore, #tpu.memory_space<semaphore_mem>>
      %dma_start3A = arith.constant 0 : i32
      %dma_start3A_26 = tpu.memref_slice %arg6[%mul3A_2, %dma_start3A] : memref<8192x16xf32, #tpu.memory_space<hbm>> -> memref<256x16xf32, #tpu.memory_space<hbm>>
      %dma_start3A_27 = arith.constant 0 : i32
      %dma_start3A_28 = tpu.memref_slice %arg6[%mul3A_2, %dma_start3A_27] : memref<8192x16xf32, #tpu.memory_space<hbm>> -> memref<256x16xf32, #tpu.memory_space<hbm>>
      tpu.enqueue_dma source(%arg12 : memref<256x16xf32, #tpu.memory_space<vmem>>) target(%dma_start3A_28 : memref<256x16xf32, #tpu.memory_space<hbm>>) target_semaphore(%run_scoped3A_25 : memref<!tpu.dma_semaphore, #tpu.memory_space<semaphore_mem>>)
      %dma_wait3A = arith.constant 0 : i32
      %dma_wait3A_29 = tpu.memref_slice %arg6[%mul3A_2, %dma_wait3A] : memref<8192x16xf32, #tpu.memory_space<hbm>> -> memref<256x16xf32, #tpu.memory_space<hbm>>
      %dma_wait3A_30 = arith.constant 0 : i32
      %dma_wait3A_31 = tpu.memref_slice %arg6[%mul3A_2, %dma_wait3A_30] : memref<8192x16xf32, #tpu.memory_space<hbm>> -> memref<256x16xf32, #tpu.memory_space<hbm>>
      tpu.wait_dma2 semaphore(%run_scoped3A_25 : memref<!tpu.dma_semaphore, #tpu.memory_space<semaphore_mem>>) src(%arg12 : memref<256x16xf32, #tpu.memory_space<vmem>>) dst(%dma_wait3A_31 : memref<256x16xf32, #tpu.memory_space<hbm>>)
      tpu.yield
    }) : () -> ()
    "tpu.region"() ({
      %run_scoped3A_25 = tpu.sem_alloc : memref<!tpu.dma_semaphore, #tpu.memory_space<semaphore_mem>>
      %dma_start3A = arith.constant 0 : i32
      %dma_start3A_26 = tpu.memref_slice %arg7[%add3A, %dma_start3A] : memref<32x2048xf32, #tpu.memory_space<hbm>> -> memref<1x2048xf32, #tpu.memory_space<hbm>>
      %dma_start3A_27 = tpu.memref_squeeze %dma_start3A_26 : memref<1x2048xf32, #tpu.memory_space<hbm>> -> memref<2048xf32, #tpu.memory_space<hbm>>
      %dma_start3A_28 = arith.constant 0 : i32
      %dma_start3A_29 = tpu.memref_slice %arg7[%add3A, %dma_start3A_28] : memref<32x2048xf32, #tpu.memory_space<hbm>> -> memref<1x2048xf32, #tpu.memory_space<hbm>>
      %dma_start3A_30 = tpu.memref_squeeze %dma_start3A_29 : memref<1x2048xf32, #tpu.memory_space<hbm>> -> memref<2048xf32, #tpu.memory_space<hbm>>
      tpu.enqueue_dma source(%arg13 : memref<2048xf32, #tpu.memory_space<vmem>>) target(%dma_start3A_30 : memref<2048xf32, #tpu.memory_space<hbm>>) target_semaphore(%run_scoped3A_25 : memref<!tpu.dma_semaphore, #tpu.memory_space<semaphore_mem>>)
      %dma_wait3A = arith.constant 0 : i32
      %dma_wait3A_31 = tpu.memref_slice %arg7[%add3A, %dma_wait3A] : memref<32x2048xf32, #tpu.memory_space<hbm>> -> memref<1x2048xf32, #tpu.memory_space<hbm>>
      %dma_wait3A_32 = tpu.memref_squeeze %dma_wait3A_31 : memref<1x2048xf32, #tpu.memory_space<hbm>> -> memref<2048xf32, #tpu.memory_space<hbm>>
      %dma_wait3A_33 = arith.constant 0 : i32
      %dma_wait3A_34 = tpu.memref_slice %arg7[%add3A, %dma_wait3A_33] : memref<32x2048xf32, #tpu.memory_space<hbm>> -> memref<1x2048xf32, #tpu.memory_space<hbm>>
      %dma_wait3A_35 = tpu.memref_squeeze %dma_wait3A_34 : memref<1x2048xf32, #tpu.memory_space<hbm>> -> memref<2048xf32, #tpu.memory_space<hbm>>
      tpu.wait_dma2 semaphore(%run_scoped3A_25 : memref<!tpu.dma_semaphore, #tpu.memory_space<semaphore_mem>>) src(%arg13 : memref<2048xf32, #tpu.memory_space<vmem>>) dst(%dma_wait3A_35 : memref<2048xf32, #tpu.memory_space<hbm>>)
      tpu.yield
    }) : () -> ()
    return
  }
}

module attributes {stable_mosaic.version = 14 : i64} {
  func.func @_prepass_body(%arg0: memref<3x8192xf32, #tpu.memory_space<vmem>>, %arg1: memref<3x8192xf32, #tpu.memory_space<vmem>>, %arg2: memref<3x8192xf32, #tpu.memory_space<vmem>>, %arg3: memref<3x8192xf32, #tpu.memory_space<vmem>>, %arg4: memref<1x8192xf32, #tpu.memory_space<vmem>>, %arg5: memref<1x8192xf32, #tpu.memory_space<vmem>>, %arg6: memref<8192x8xbf16, #tpu.memory_space<vmem>>, %arg7: memref<8192x8xbf16, #tpu.memory_space<vmem>>, %arg8: memref<8192x8xbf16, #tpu.memory_space<vmem>>, %arg9: memref<8192x8xbf16, #tpu.memory_space<vmem>>) attributes {dimension_semantics = [], scalar_prefetch = 0 : i64, scratch_operands = 0 : i64, tpu.core_type = #tpu.core_type<tc>} {
    %get3A = arith.constant 0 : index
    %get3A_0 = arith.constant 0 : index
    %get3A_1 = vector.load %arg0[%get3A, %get3A_0] : memref<3x8192xf32, #tpu.memory_space<vmem>>, vector<3x8192xf32>
    %get3A_2 = arith.constant 0 : index
    %get3A_3 = arith.constant 0 : index
    %get3A_4 = vector.load %arg1[%get3A_2, %get3A_3] : memref<3x8192xf32, #tpu.memory_space<vmem>>, vector<3x8192xf32>
    %convert_element_type3A = arith.truncf %get3A_1 : vector<3x8192xf32> to vector<3x8192xbf16>
    %convert_element_type3A_5 = arith.truncf %get3A_4 : vector<3x8192xf32> to vector<3x8192xbf16>
    %convert_element_type3A_6 = arith.extf %convert_element_type3A : vector<3x8192xbf16> to vector<3x8192xf32>
    %mul3A = arith.constant -2.000000e+00 : f32
    %mul3A_7 = vector.broadcast %mul3A : f32 to vector<3x8192xf32>
    %mul3A_8 = arith.mulf %convert_element_type3A_6, %mul3A_7 : vector<3x8192xf32>
    %swap3A = arith.constant 0 : index
    %swap3A_9 = arith.constant 0 : index
    %swap3A_10 = vector.load %arg2[%swap3A, %swap3A_9] : memref<3x8192xf32, #tpu.memory_space<vmem>>, vector<3x8192xf32>
    tpu.vector_store %arg2[%swap3A, %swap3A_9], %mul3A_8 {strides = array<i32>} : memref<3x8192xf32, #tpu.memory_space<vmem>>, vector<3x8192xf32>,
    %convert_element_type3A_11 = arith.extf %convert_element_type3A_5 : vector<3x8192xbf16> to vector<3x8192xf32>
    %swap3A_12 = arith.constant 0 : index
    %swap3A_13 = arith.constant 0 : index
    %swap3A_14 = vector.load %arg3[%swap3A_12, %swap3A_13] : memref<3x8192xf32, #tpu.memory_space<vmem>>, vector<3x8192xf32>
    tpu.vector_store %arg3[%swap3A_12, %swap3A_13], %convert_element_type3A_11 {strides = array<i32>} : memref<3x8192xf32, #tpu.memory_space<vmem>>, vector<3x8192xf32>,
    %mul3A_15 = arith.mulf %get3A_1, %get3A_1 : vector<3x8192xf32>
    %reduce_sum3A = arith.constant dense<0.000000e+00> : vector<8192xf32>
    %reduce_sum3A_16 = vector.multi_reduction <add>, %mul3A_15, %reduce_sum3A [0] : vector<3x8192xf32> to vector<8192xf32>
    %broadcast_in_dim3A = vector.shape_cast %reduce_sum3A_16 : vector<8192xf32> to vector<1x8192xf32>
    %mul3A_17 = arith.mulf %get3A_4, %get3A_4 : vector<3x8192xf32>
    %reduce_sum3A_18 = arith.constant dense<0.000000e+00> : vector<8192xf32>
    %reduce_sum3A_19 = vector.multi_reduction <add>, %mul3A_17, %reduce_sum3A_18 [0] : vector<3x8192xf32> to vector<8192xf32>
    %broadcast_in_dim3A_20 = vector.shape_cast %reduce_sum3A_19 : vector<8192xf32> to vector<1x8192xf32>
    %swap3A_21 = arith.constant 0 : index
    %swap3A_22 = arith.constant 0 : index
    %swap3A_23 = vector.load %arg4[%swap3A_21, %swap3A_22] : memref<1x8192xf32, #tpu.memory_space<vmem>>, vector<1x8192xf32>
    tpu.vector_store %arg4[%swap3A_21, %swap3A_22], %broadcast_in_dim3A {strides = array<i32>} : memref<1x8192xf32, #tpu.memory_space<vmem>>, vector<1x8192xf32>,
    %swap3A_24 = arith.constant 0 : index
    %swap3A_25 = arith.constant 0 : index
    %swap3A_26 = vector.load %arg5[%swap3A_24, %swap3A_25] : memref<1x8192xf32, #tpu.memory_space<vmem>>, vector<1x8192xf32>
    tpu.vector_store %arg5[%swap3A_24, %swap3A_25], %broadcast_in_dim3A_20 {strides = array<i32>} : memref<1x8192xf32, #tpu.memory_space<vmem>>, vector<1x8192xf32>,
    %broadcast_in_dim3A_27 = arith.constant 1.000000e+00 : bf16
    %broadcast_in_dim3A_28 = vector.broadcast %broadcast_in_dim3A_27 : bf16 to vector<3x8192xbf16>
    %broadcast_in_dim3A_29 = arith.constant 0.000000e+00 : bf16
    %broadcast_in_dim3A_30 = vector.broadcast %broadcast_in_dim3A_29 : bf16 to vector<2x8192xbf16>
    %convert_element_type3A_31 = arith.truncf %broadcast_in_dim3A : vector<1x8192xf32> to vector<1x8192xbf16>
    %convert_element_type3A_32 = arith.extf %convert_element_type3A_31 : vector<1x8192xbf16> to vector<1x8192xf32>
    %sub3A = arith.subf %broadcast_in_dim3A, %convert_element_type3A_32 : vector<1x8192xf32>
    %convert_element_type3A_33 = arith.truncf %sub3A : vector<1x8192xf32> to vector<1x8192xbf16>
    %convert_element_type3A_34 = arith.extf %convert_element_type3A_33 : vector<1x8192xbf16> to vector<1x8192xf32>
    %sub3A_35 = arith.subf %sub3A, %convert_element_type3A_34 : vector<1x8192xf32>
    %convert_element_type3A_36 = arith.truncf %sub3A_35 : vector<1x8192xf32> to vector<1x8192xbf16>
    %convert_element_type3A_37 = arith.truncf %broadcast_in_dim3A_20 : vector<1x8192xf32> to vector<1x8192xbf16>
    %convert_element_type3A_38 = arith.extf %convert_element_type3A_37 : vector<1x8192xbf16> to vector<1x8192xf32>
    %sub3A_39 = arith.subf %broadcast_in_dim3A_20, %convert_element_type3A_38 : vector<1x8192xf32>
    %convert_element_type3A_40 = arith.truncf %sub3A_39 : vector<1x8192xf32> to vector<1x8192xbf16>
    %convert_element_type3A_41 = arith.extf %convert_element_type3A_40 : vector<1x8192xbf16> to vector<1x8192xf32>
    %sub3A_42 = arith.subf %sub3A_39, %convert_element_type3A_41 : vector<1x8192xf32>
    %convert_element_type3A_43 = arith.truncf %sub3A_42 : vector<1x8192xf32> to vector<1x8192xbf16>
    %concatenate3A = tpu.concatenate %convert_element_type3A, %broadcast_in_dim3A_28, %broadcast_in_dim3A_30 in 0 : vector<3x8192xbf16>, vector<3x8192xbf16>, vector<2x8192xbf16> -> vector<8x8192xbf16>
    %transpose3A = tpu.transpose %concatenate3A, [1, 0] : vector<8x8192xbf16> -> vector<8192x8xbf16>
    %swap3A_44 = arith.constant 0 : index
    %swap3A_45 = arith.constant 0 : index
    %swap3A_46 = vector.load %arg6[%swap3A_44, %swap3A_45] : memref<8192x8xbf16, #tpu.memory_space<vmem>>, vector<8192x8xbf16>
    tpu.vector_store %arg6[%swap3A_44, %swap3A_45], %transpose3A {strides = array<i32>} : memref<8192x8xbf16, #tpu.memory_space<vmem>>, vector<8192x8xbf16>,
    %mul3A_47 = arith.constant -2.000000e+00 : bf16
    %mul3A_48 = vector.broadcast %mul3A_47 : bf16 to vector<3x8192xbf16>
    %mul3A_49 = arith.mulf %convert_element_type3A_5, %mul3A_48 : vector<3x8192xbf16>
    %concatenate3A_50 = tpu.concatenate %mul3A_49, %convert_element_type3A_37, %convert_element_type3A_40, %convert_element_type3A_43, %broadcast_in_dim3A_30 in 0 : vector<3x8192xbf16>, vector<1x8192xbf16>, vector<1x8192xbf16>, vector<1x8192xbf16>, vector<2x8192xbf16> -> vector<8x8192xbf16>
    %transpose3A_51 = tpu.transpose %concatenate3A_50, [1, 0] : vector<8x8192xbf16> -> vector<8192x8xbf16>
    %swap3A_52 = arith.constant 0 : index
    %swap3A_53 = arith.constant 0 : index
    %swap3A_54 = vector.load %arg7[%swap3A_52, %swap3A_53] : memref<8192x8xbf16, #tpu.memory_space<vmem>>, vector<8192x8xbf16>
    tpu.vector_store %arg7[%swap3A_52, %swap3A_53], %transpose3A_51 {strides = array<i32>} : memref<8192x8xbf16, #tpu.memory_space<vmem>>, vector<8192x8xbf16>,
    %mul3A_55 = arith.constant -2.000000e+00 : bf16
    %mul3A_56 = vector.broadcast %mul3A_55 : bf16 to vector<3x8192xbf16>
    %mul3A_57 = arith.mulf %convert_element_type3A, %mul3A_56 : vector<3x8192xbf16>
    %concatenate3A_58 = tpu.concatenate %mul3A_57, %convert_element_type3A_31, %convert_element_type3A_33, %convert_element_type3A_36, %broadcast_in_dim3A_30 in 0 : vector<3x8192xbf16>, vector<1x8192xbf16>, vector<1x8192xbf16>, vector<1x8192xbf16>, vector<2x8192xbf16> -> vector<8x8192xbf16>
    %transpose3A_59 = tpu.transpose %concatenate3A_58, [1, 0] : vector<8x8192xbf16> -> vector<8192x8xbf16>
    %swap3A_60 = arith.constant 0 : index
    %swap3A_61 = arith.constant 0 : index
    %swap3A_62 = vector.load %arg8[%swap3A_60, %swap3A_61] : memref<8192x8xbf16, #tpu.memory_space<vmem>>, vector<8192x8xbf16>
    tpu.vector_store %arg8[%swap3A_60, %swap3A_61], %transpose3A_59 {strides = array<i32>} : memref<8192x8xbf16, #tpu.memory_space<vmem>>, vector<8192x8xbf16>,
    %concatenate3A_63 = tpu.concatenate %convert_element_type3A_5, %broadcast_in_dim3A_28, %broadcast_in_dim3A_30 in 0 : vector<3x8192xbf16>, vector<3x8192xbf16>, vector<2x8192xbf16> -> vector<8x8192xbf16>
    %transpose3A_64 = tpu.transpose %concatenate3A_63, [1, 0] : vector<8x8192xbf16> -> vector<8192x8xbf16>
    %swap3A_65 = arith.constant 0 : index
    %swap3A_66 = arith.constant 0 : index
    %swap3A_67 = vector.load %arg9[%swap3A_65, %swap3A_66] : memref<8192x8xbf16, #tpu.memory_space<vmem>>, vector<8192x8xbf16>
    tpu.vector_store %arg9[%swap3A_65, %swap3A_66], %transpose3A_64 {strides = array<i32>} : memref<8192x8xbf16, #tpu.memory_space<vmem>>, vector<8192x8xbf16>,
    return
  }
}

module attributes {stable_mosaic.version = 14 : i64} {
  func.func @_tc_main_body(%arg0: i32, %arg1: i32, %arg2: memref<2048x8xbf16, #tpu.memory_space<vmem>>, %arg3: memref<1024x8xbf16, #tpu.memory_space<vmem>>, %arg4: memref<2048x8xbf16, #tpu.memory_space<vmem>>, %arg5: memref<1024x8xbf16, #tpu.memory_space<vmem>>, %arg6: memref<2048x128xf32, #tpu.memory_space<vmem>>, %arg7: memref<1x1x1024xf32, #tpu.memory_space<vmem>>) attributes {dimension_semantics = [#tpu.dimension_semantics<arbitrary>, #tpu.dimension_semantics<arbitrary>], iteration_bounds = array<i64: 4, 6>, scalar_prefetch = 0 : i64, scratch_operands = 0 : i64, tpu.core_type = #tpu.core_type<tc>, window_params = [{transform_indices = @transform_0, window_bounds = array<i64: 2048, 8>}, {transform_indices = @transform_1, window_bounds = array<i64: 1024, 8>}, {transform_indices = @transform_2, window_bounds = array<i64: 2048, 8>}, {transform_indices = @transform_3, window_bounds = array<i64: 1024, 8>}, {transform_indices = @transform_4, window_bounds = array<i64: 2048, 128>}, {transform_indices = @transform_5, window_bounds = array<i64: 1, 1, 1024>}]} {
    %get3A = arith.constant 0 : index
    %get3A_0 = arith.constant 0 : index
    %get3A_1 = vector.load %arg2[%get3A, %get3A_0] : memref<2048x8xbf16, #tpu.memory_space<vmem>>, vector<2048x8xbf16>
    %get3A_2 = arith.constant 0 : index
    %get3A_3 = arith.constant 0 : index
    %get3A_4 = vector.load %arg3[%get3A_2, %get3A_3] : memref<1024x8xbf16, #tpu.memory_space<vmem>>, vector<1024x8xbf16>
    %dot_general3A = arith.constant dense<0.000000e+00> : vector<2048x1024xf32>
    %dot_general3A_5 = tpu.matmul %get3A_1, %get3A_4, %dot_general3A {dimension_numbers = #tpu.dot_dimension_numbers<[1], [1], [0], [0], [0, 0, 1, 0], [], []>, transpose_lhs_hint = false} : vector<2048x8xbf16>, vector<1024x8xbf16>, vector<2048x1024xf32> -> vector<2048x1024xf32>
    %get3A_6 = arith.constant 0 : index
    %get3A_7 = arith.constant 0 : index
    %get3A_8 = vector.load %arg4[%get3A_6, %get3A_7] : memref<2048x8xbf16, #tpu.memory_space<vmem>>, vector<2048x8xbf16>
    %get3A_9 = arith.constant 0 : index
    %get3A_10 = arith.constant 0 : index
    %get3A_11 = vector.load %arg5[%get3A_9, %get3A_10] : memref<1024x8xbf16, #tpu.memory_space<vmem>>, vector<1024x8xbf16>
    %dot_general3A_12 = arith.constant dense<0.000000e+00> : vector<2048x1024xf32>
    %dot_general3A_13 = tpu.matmul %get3A_8, %get3A_11, %dot_general3A_12 {dimension_numbers = #tpu.dot_dimension_numbers<[1], [1], [0], [0], [0, 0, 1, 0], [], []>, transpose_lhs_hint = false} : vector<2048x8xbf16>, vector<1024x8xbf16>, vector<2048x1024xf32> -> vector<2048x1024xf32>
    %slice3A = vector.extract_strided_slice %dot_general3A_5 {offsets = [0, 0], sizes = [2048, 128], strides = [1, 1]} : vector<2048x1024xf32> to vector<2048x128xf32>
    %slice3A_14 = vector.extract_strided_slice %dot_general3A_5 {offsets = [0, 128], sizes = [2048, 128], strides = [1, 1]} : vector<2048x1024xf32> to vector<2048x128xf32>
    %min3A = arith.minimumf %slice3A, %slice3A_14 : vector<2048x128xf32>
    %slice3A_15 = vector.extract_strided_slice %dot_general3A_5 {offsets = [0, 256], sizes = [2048, 128], strides = [1, 1]} : vector<2048x1024xf32> to vector<2048x128xf32>
    %min3A_16 = arith.minimumf %min3A, %slice3A_15 : vector<2048x128xf32>
    %slice3A_17 = vector.extract_strided_slice %dot_general3A_5 {offsets = [0, 384], sizes = [2048, 128], strides = [1, 1]} : vector<2048x1024xf32> to vector<2048x128xf32>
    %min3A_18 = arith.minimumf %min3A_16, %slice3A_17 : vector<2048x128xf32>
    %slice3A_19 = vector.extract_strided_slice %dot_general3A_5 {offsets = [0, 512], sizes = [2048, 128], strides = [1, 1]} : vector<2048x1024xf32> to vector<2048x128xf32>
    %min3A_20 = arith.minimumf %min3A_18, %slice3A_19 : vector<2048x128xf32>
    %slice3A_21 = vector.extract_strided_slice %dot_general3A_5 {offsets = [0, 640], sizes = [2048, 128], strides = [1, 1]} : vector<2048x1024xf32> to vector<2048x128xf32>
    %min3A_22 = arith.minimumf %min3A_20, %slice3A_21 : vector<2048x128xf32>
    %slice3A_23 = vector.extract_strided_slice %dot_general3A_5 {offsets = [0, 768], sizes = [2048, 128], strides = [1, 1]} : vector<2048x1024xf32> to vector<2048x128xf32>
    %min3A_24 = arith.minimumf %min3A_22, %slice3A_23 : vector<2048x128xf32>
    %slice3A_25 = vector.extract_strided_slice %dot_general3A_5 {offsets = [0, 896], sizes = [2048, 128], strides = [1, 1]} : vector<2048x1024xf32> to vector<2048x128xf32>
    %min3A_26 = arith.minimumf %min3A_24, %slice3A_25 : vector<2048x128xf32>
    %eq3A = arith.constant 0 : i32
    %eq3A_27 = arith.cmpi eq, %arg1, %eq3A : i32
    %convert_element_type3A = arith.extui %eq3A_27 : i1 to i32
    %cond3A = arith.constant 0 : i32
    %cond3A_28 = arith.cmpi ne, %convert_element_type3A, %cond3A : i32
    scf.if %cond3A_28 {
      %swap3A_39 = arith.constant 0 : index
      %swap3A_40 = arith.constant 0 : index
      %swap3A_41 = vector.load %arg6[%swap3A_39, %swap3A_40] : memref<2048x128xf32, #tpu.memory_space<vmem>>, vector<2048x128xf32>
      tpu.vector_store %arg6[%swap3A_39, %swap3A_40], %min3A_26 {strides = array<i32>} : memref<2048x128xf32, #tpu.memory_space<vmem>>, vector<2048x128xf32>,
    } else {
    }
    %gt3A = arith.constant 0 : i32
    %gt3A_29 = arith.cmpi sgt, %arg1, %gt3A : i32
    %convert_element_type3A_30 = arith.extui %gt3A_29 : i1 to i32
    %cond3A_31 = arith.constant 0 : i32
    %cond3A_32 = arith.cmpi ne, %convert_element_type3A_30, %cond3A_31 : i32
    scf.if %cond3A_32 {
      %get3A_39 = arith.constant 0 : index
      %get3A_40 = arith.constant 0 : index
      %get3A_41 = vector.load %arg6[%get3A_39, %get3A_40] : memref<2048x128xf32, #tpu.memory_space<vmem>>, vector<2048x128xf32>
      %min3A_42 = arith.minimumf %get3A_41, %min3A_26 : vector<2048x128xf32>
      %swap3A_43 = arith.constant 0 : index
      %swap3A_44 = arith.constant 0 : index
      %swap3A_45 = vector.load %arg6[%swap3A_43, %swap3A_44] : memref<2048x128xf32, #tpu.memory_space<vmem>>, vector<2048x128xf32>
      tpu.vector_store %arg6[%swap3A_43, %swap3A_44], %min3A_42 {strides = array<i32>} : memref<2048x128xf32, #tpu.memory_space<vmem>>, vector<2048x128xf32>,
    } else {
    }
    %reduce_min3A = arith.constant dense<0x7F800000> : vector<1024xf32>
    %reduce_min3A_33 = vector.multi_reduction <minimumf>, %dot_general3A_13, %reduce_min3A [0] : vector<2048x1024xf32> to vector<1024xf32>
    %swap3A = arith.constant 0 : index
    %swap3A_34 = arith.constant 0 : index
    %swap3A_35 = arith.constant 0 : index
    %swap3A_36 = vector.load %arg7[%swap3A, %swap3A_34, %swap3A_35] : memref<1x1x1024xf32, #tpu.memory_space<vmem>>, vector<1x1x1024xf32>
    %swap3A_37 = vector.shape_cast %swap3A_36 : vector<1x1x1024xf32> to vector<1024xf32>
    %swap3A_38 = vector.shape_cast %reduce_min3A_33 : vector<1024xf32> to vector<1x1x1024xf32>
    tpu.vector_store %arg7[%swap3A, %swap3A_34, %swap3A_35], %swap3A_38 {strides = array<i32>} : memref<1x1x1024xf32, #tpu.memory_space<vmem>>, vector<1x1x1024xf32>,
    return
  }
  func.func @transform_0(%arg0: i32, %arg1: i32) -> (i32, i32) {
    %c0_i32 = arith.constant 0 : i32
    %c0_i32_0 = arith.constant 0 : i32
    return %arg0, %c0_i32 : i32, i32
  }
  func.func @transform_1(%arg0: i32, %arg1: i32) -> (i32, i32) {
    %c0_i32 = arith.constant 0 : i32
    %c0_i32_0 = arith.constant 0 : i32
    return %arg1, %c0_i32 : i32, i32
  }
  func.func @transform_2(%arg0: i32, %arg1: i32) -> (i32, i32) {
    %c0_i32 = arith.constant 0 : i32
    %c0_i32_0 = arith.constant 0 : i32
    return %arg0, %c0_i32 : i32, i32
  }
  func.func @transform_3(%arg0: i32, %arg1: i32) -> (i32, i32) {
    %c0_i32 = arith.constant 0 : i32
    %c0_i32_0 = arith.constant 0 : i32
    return %arg1, %c0_i32 : i32, i32
  }
  func.func @transform_4(%arg0: i32, %arg1: i32) -> (i32, i32) {
    %c0_i32 = arith.constant 0 : i32
    %c0_i32_0 = arith.constant 0 : i32
    return %arg0, %c0_i32 : i32, i32
  }
  func.func @transform_5(%arg0: i32, %arg1: i32) -> (i32, i32, i32) {
    %c0_i32 = arith.constant 0 : i32
    %c0_i32_0 = arith.constant 0 : i32
    return %arg0, %c0_i32, %arg1 : i32, i32, i32
  }
}

module attributes {stable_mosaic.version = 14 : i64} {
  func.func @_tc_epilogue_body(%arg0: memref<8192x16xf32, #tpu.memory_space<vmem>>, %arg1: memref<32x2048xf32, #tpu.memory_space<vmem>>, %arg2: memref<8192x128xf32, #tpu.memory_space<vmem>>, %arg3: memref<4x6144xf32, #tpu.memory_space<vmem>>, %arg4: memref<1x8192xf32, #tpu.memory_space<vmem>>, %arg5: memref<1x8192xf32, #tpu.memory_space<vmem>>, %arg6: memref<1x1xf32, #tpu.memory_space<smem>>) attributes {dimension_semantics = [], scalar_prefetch = 0 : i64, scratch_operands = 0 : i64, tpu.core_type = #tpu.core_type<tc>} {
    %get3A = arith.constant 0 : index
    %get3A_0 = arith.constant 0 : index
    %get3A_1 = vector.load %arg4[%get3A, %get3A_0] : memref<1x8192xf32, #tpu.memory_space<vmem>>, vector<1x8192xf32>
    %get3A_2 = vector.shape_cast %get3A_1 : vector<1x8192xf32> to vector<8192xf32>
    %get3A_3 = arith.constant 0 : index
    %get3A_4 = arith.constant 0 : index
    %get3A_5 = vector.load %arg5[%get3A_3, %get3A_4] : memref<1x8192xf32, #tpu.memory_space<vmem>>, vector<1x8192xf32>
    %get3A_6 = vector.shape_cast %get3A_5 : vector<1x8192xf32> to vector<8192xf32>
    %get3A_7 = arith.constant 0 : index
    %get3A_8 = arith.constant 0 : index
    %get3A_9 = vector.load %arg0[%get3A_7, %get3A_8] : memref<8192x16xf32, #tpu.memory_space<vmem>>, vector<8192x16xf32>
    %reduce_min3A = arith.constant dense<0x7F800000> : vector<8192xf32>
    %reduce_min3A_10 = vector.multi_reduction <minimumf>, %get3A_9, %reduce_min3A [1] : vector<8192x16xf32> to vector<8192xf32>
    %get3A_11 = arith.constant 0 : index
    %get3A_12 = arith.constant 0 : index
    %get3A_13 = vector.load %arg2[%get3A_11, %get3A_12] : memref<8192x128xf32, #tpu.memory_space<vmem>>, vector<8192x128xf32>
    %reduce_min3A_14 = arith.constant dense<0x7F800000> : vector<8192xf32>
    %reduce_min3A_15 = vector.multi_reduction <minimumf>, %get3A_13, %reduce_min3A_14 [1] : vector<8192x128xf32> to vector<8192xf32>
    %add3A = arith.addf %reduce_min3A_15, %get3A_2 : vector<8192xf32>
    %min3A = arith.minimumf %reduce_min3A_10, %add3A : vector<8192xf32>
    %get3A_16 = arith.constant 0 : index
    %get3A_17 = arith.constant 0 : index
    %get3A_18 = vector.load %arg1[%get3A_16, %get3A_17] : memref<32x2048xf32, #tpu.memory_space<vmem>>, vector<32x2048xf32>
    %reduce_min3A_19 = arith.constant dense<0x7F800000> : vector<2048xf32>
    %reduce_min3A_20 = vector.multi_reduction <minimumf>, %get3A_18, %reduce_min3A_19 [0] : vector<32x2048xf32> to vector<2048xf32>
    %get3A_21 = arith.constant 0 : index
    %get3A_22 = arith.constant 0 : index
    %get3A_23 = vector.load %arg3[%get3A_21, %get3A_22] : memref<4x6144xf32, #tpu.memory_space<vmem>>, vector<4x6144xf32>
    %reduce_min3A_24 = arith.constant dense<0x7F800000> : vector<6144xf32>
    %reduce_min3A_25 = vector.multi_reduction <minimumf>, %get3A_23, %reduce_min3A_24 [0] : vector<4x6144xf32> to vector<6144xf32>
    %slice3A = vector.extract_strided_slice %get3A_6 {offsets = [2048], sizes = [6144], strides = [1]} : vector<8192xf32> to vector<6144xf32>
    %add3A_26 = arith.addf %reduce_min3A_25, %slice3A : vector<6144xf32>
    %max3A = arith.constant 0.000000e+00 : f32
    %max3A_27 = vector.broadcast %max3A : f32 to vector<8192xf32>
    %max3A_28 = arith.maximumf %min3A, %max3A_27 : vector<8192xf32>
    %add3A_29 = arith.constant 9.99999996E-13 : f32
    %add3A_30 = vector.broadcast %add3A_29 : f32 to vector<8192xf32>
    %add3A_31 = arith.addf %max3A_28, %add3A_30 : vector<8192xf32>
    %sqrt3A = math.sqrt %add3A_31 : vector<8192xf32>
    %reduce_sum3A = vector.shape_cast %sqrt3A : vector<8192xf32> to vector<1x8192xf32>
    %reduce_sum3A_32 = arith.constant dense<0.000000e+00> : vector<1xf32>
    %reduce_sum3A_33 = vector.multi_reduction <add>, %reduce_sum3A, %reduce_sum3A_32 [1] : vector<1x8192xf32> to vector<1xf32>
    %reduce_sum3A_34 = vector.shape_cast %reduce_sum3A_33 : vector<1xf32> to vector<1x1xf32>
    %reduce_sum3A_35 = vector.extract %reduce_sum3A_34[0, 0] : f32 from vector<1x1xf32>
    %div3A = arith.constant 8.192000e+03 : f32
    %div3A_36 = arith.divf %reduce_sum3A_35, %div3A : f32
    %max3A_37 = arith.constant 0.000000e+00 : f32
    %max3A_38 = vector.broadcast %max3A_37 : f32 to vector<2048xf32>
    %max3A_39 = arith.maximumf %reduce_min3A_20, %max3A_38 : vector<2048xf32>
    %add3A_40 = arith.constant 9.99999996E-13 : f32
    %add3A_41 = vector.broadcast %add3A_40 : f32 to vector<2048xf32>
    %add3A_42 = arith.addf %max3A_39, %add3A_41 : vector<2048xf32>
    %sqrt3A_43 = math.sqrt %add3A_42 : vector<2048xf32>
    %reduce_sum3A_44 = vector.shape_cast %sqrt3A_43 : vector<2048xf32> to vector<1x2048xf32>
    %reduce_sum3A_45 = arith.constant dense<0.000000e+00> : vector<1xf32>
    %reduce_sum3A_46 = vector.multi_reduction <add>, %reduce_sum3A_44, %reduce_sum3A_45 [1] : vector<1x2048xf32> to vector<1xf32>
    %reduce_sum3A_47 = vector.shape_cast %reduce_sum3A_46 : vector<1xf32> to vector<1x1xf32>
    %reduce_sum3A_48 = vector.extract %reduce_sum3A_47[0, 0] : f32 from vector<1x1xf32>
    %max3A_49 = arith.constant 0.000000e+00 : f32
    %max3A_50 = vector.broadcast %max3A_49 : f32 to vector<6144xf32>
    %max3A_51 = arith.maximumf %add3A_26, %max3A_50 : vector<6144xf32>
    %add3A_52 = arith.constant 9.99999996E-13 : f32
    %add3A_53 = vector.broadcast %add3A_52 : f32 to vector<6144xf32>
    %add3A_54 = arith.addf %max3A_51, %add3A_53 : vector<6144xf32>
    %sqrt3A_55 = math.sqrt %add3A_54 : vector<6144xf32>
    %reduce_sum3A_56 = vector.shape_cast %sqrt3A_55 : vector<6144xf32> to vector<1x6144xf32>
    %reduce_sum3A_57 = arith.constant dense<0.000000e+00> : vector<1xf32>
    %reduce_sum3A_58 = vector.multi_reduction <add>, %reduce_sum3A_56, %reduce_sum3A_57 [1] : vector<1x6144xf32> to vector<1xf32>
    %reduce_sum3A_59 = vector.shape_cast %reduce_sum3A_58 : vector<1xf32> to vector<1x1xf32>
    %reduce_sum3A_60 = vector.extract %reduce_sum3A_59[0, 0] : f32 from vector<1x1xf32>
    %add3A_61 = arith.addf %reduce_sum3A_48, %reduce_sum3A_60 : f32
    %div3A_62 = arith.constant 8.192000e+03 : f32
    %div3A_63 = arith.divf %add3A_61, %div3A_62 : f32
    %add3A_64 = arith.addf %div3A_36, %div3A_63 : f32
    %mul3A = arith.constant 5.000000e-01 : f32
    %mul3A_65 = arith.mulf %add3A_64, %mul3A : f32
    %swap3A = arith.constant 0 : index
    %swap3A_66 = arith.constant 0 : index
    %swap3A_67 = memref.load %arg6[%swap3A, %swap3A_66] : memref<1x1xf32, #tpu.memory_space<smem>>
    memref.store %mul3A_65, %arg6[%swap3A, %swap3A_66] : memref<1x1xf32, #tpu.memory_space<smem>>
    return
  }
}

</mosaic_0001>

<sc_bundles>
// kernel: kernel.6.cloned.1.call-start
scs
__scs_entry_jumppad:
0x0: {  	(pc) =	sbr.rel $0x88, $3  }
0x1: {  	(tag) =	ssettag $0x0;
	lr =	simm.s32 $0x1  }
0x2: {  	[smem:$0x3F9F] =	sst lr;
	_ =	strace $0xD0000000  }
0x3: {  	_ = 	snop  }
0x4: {  	_ = 	snop  }
0x5: {  	_ = 	snop  }
0x6: {  	_ = 	snop  }
0x7: {  	_ = 	snop  }
__scs_overlays_trampoline_lowered:
0x8: {  	[smem:$0x3FAE] =	sst s0  }
0x9: {  	[smem:$0x3FAF] =	sst s1  }
0xa: {  	[smem:$0x3FB0] =	sst s2  }
0xb: {  	[smem:$0x3FB1] =	sst s3  }
0xc: {  	[smem:$0x3FB2] =	sst s4  }
0xd: {  	[smem:$0x3FB3] =	sst s5  }
0xe: {  	[smem:$0x3FB4] =	sst s6  }
0xf: {  	[smem:$0x3FB5] =	sst s7  }
0x10: {  	[smem:$0x3FB6] =	sst s8  }
0x11: {  	[smem:$0x3FB7] =	sst s9;
	s0 =	simm.s32 @!p0 $0x0  }
0x12: {  	s1 =	sld [smem:$0x3F9D];
	s0 =	simm.s32 @p0 $0x1  }
0x13: {  	[smem:$0x3FB8] =	sst s0;
	s0 =	simm.s32 @!p1 $0x0  }
0x14: {  	s2 =	sld [smem:$0x3F9C];
	s0 =	simm.s32 @p1 $0x1  }
0x15: {  	[smem:$0x3FB9] =	sst s0;
	s0 =	simm.s32 @!p2 $0x0  }
0x16: {  	s3 =	sld [smem:$0x3FDB];
	s0 =	simm.s32 @p2 $0x1  }
0x17: {  	s4 =	simm.s32 $0x1BF5;
	[smem:$0x3FBB] =	sst s0  }
0x18: {  	s0 =	sld [smem:$0x3F9E];
	_ =	swait.ge [sflag:s4], $0x0  }
0x19: {  	s7 =	sld [smem:$0x3F9F]  }
0x1a: {  	s8 =	sadd.s32 $0xFFFFE003, lr  }
0x1b: {  	s9 =	sadd.s32 $0xFFFFFEF7, lr;
	s5 =	simm.s32 $0xFFFFFFFF;
	p2 =	slt.u32 s8, $0xFFFFF086  }
0x1c: {  	p1 =	slt.u32 s9, $0xF7A;
	s5 =	simm.s32 @!p2 $0x0  }
0x1d: {  	s5 =	simm.s32 @p1 $0x1;
	p0 =	seq.s32 s7, s2  }
0x1e: {  	s7 =	smul.u32 @!p0 $0xF7A, s2;
	p2 =	seq.s32 @!p0 s5, $0x0  }
0x1f: {  	s9 =	smul.u32 $0xF7A, s1;
	s8 =	simm.s32 @!p0 $0x1BF5;
	p2 =	por !p2, p0  }
0x20: {  	[sflag:s8] =	ssyncset.s32 @!p0 $0xFFFFF086;
	s6 =	sadd.s32 @!p0 s3, s7;
	s7 =	simm.s32 @!p0 $0x108  }
0x21: {  	s3 =	sadd.s32 s3, s9;
	s6 =	sadd.s32 @!p0 $0x88, s6;
	s7 =	simm.s32 @p2 $0x1082  }
0x22: {  	[simem:s7], [sflag:s8] =	dma.local @!p0 [hbm:s6], $0xF7A  }
0x23: {  	s9 =	sor.u32 $0xD0000000, s2;
	s6 =	simm.s32 $0x108;
	_ =	swait.ge @!p0 [sflag:s8], $0x0  }
0x24: {  	s3 =	sadd.s32 $0x88, s3;
	s6 =	simm.s32 @!p1 $0x1082;
	[sflag:s4] =	ssyncset.s32 $0xFFFFF086  }
0x25: {  	[simem:s6], [sflag:s4] =	dma.local [hbm:s3], $0xF7A  }
0x26: {  	[smem:$0x3F9F] =	sst s1;
	(tag) =	ssettag s2;
	_ =	strace s9  }
0x27: {  	s1 =	sld [smem:$0x3FAF]  }
0x28: {  	s2 =	sld [smem:$0x3FB0]  }
0x29: {  	s4 =	sld [smem:$0x3FB2]  }
0x2a: {  	p0 =	seq.s32 s5, $0x0;
	s5 =	sld [smem:$0x3FB3]  }
0x2b: {  	s6 =	sld [smem:$0x3FB4]  }
0x2c: {  	s7 =	sld [smem:$0x3FB5]  }
0x2d: {  	s3 =	simm.s32 $0x108;
	s8 =	sld [smem:$0x3FB6]  }
0x2e: {  	s3 =	simm.s32 @!p0 $0x1082;
	s9 =	sld [smem:$0x3FB7]  }
0x2f: {  	lr =	sadd.s32 s0, s3;
	s0 =	sld [smem:$0x3FAE]  }
0x30: {  	s3 =	sld [smem:$0x3FB1]  }
0x31: {  	[smem:$0x3FBA] =	sst s10  }
0x32: {  	s10 =	sld [smem:$0x3FB8];
	_ =	sdelay $0x3  }
0x33: {  	p0 =	seq.s32 s10, $0x1;
	s10 =	sld [smem:$0x3FBA];
	_ =	sdelay $0x3  }
0x34: {  	[smem:$0x3FBA] =	sst s10  }
0x35: {  	s10 =	sld [smem:$0x3FB9];
	_ =	sdelay $0x3  }
0x36: {  	p1 =	seq.s32 s10, $0x1;
	s10 =	sld [smem:$0x3FBA];
	_ =	sdelay $0x3  }
0x37: {  	[smem:$0x3FBA] =	sst s10  }
0x38: {  	s10 =	sld [smem:$0x3FBB]  }
0x39: {  	_ = 	snop;
	(pc) =	sbr.ind lr, $3  }
0x3a: {  	_ = 	snop  }
0x3b: {  	_ = 	snop  }
0x3c: {  	p2 =	seq.s32 s10, $0x1;
	s10 =	sld [smem:$0x3FBA]  }
0x3d: {  	_ =	shalt  }
0x3e: {  	_ =	shalt  }
0x3f: {  	_ =	shalt  }
0x40: {  	_ =	shalt  }
0x41: {  	_ =	shalt  }
0x42: {  	_ =	shalt  }
0x43: {  	_ =	shalt  }
0x44: {  	_ =	shalt  }
0x45: {  	_ =	shalt  }
0x46: {  	_ =	shalt  }
0x47: {  	_ =	shalt  }
0x48: {  	_ =	shalt  }
0x49: {  	_ =	shalt  }
0x4a: {  	_ =	shalt  }
0x4b: {  	_ =	shalt  }
0x4c: {  	_ =	shalt  }
0x4d: {  	_ =	shalt  }
0x4e: {  	_ =	shalt  }
0x4f: {  	_ =	shalt  }
0x50: {  	_ =	shalt  }
0x51: {  	_ =	shalt  }
0x52: {  	_ =	shalt  }
0x53: {  	_ =	shalt  }
0x54: {  	_ =	shalt  }
0x55: {  	_ =	shalt  }
0x56: {  	_ =	shalt  }
0x57: {  	_ =	shalt  }
0x58: {  	_ =	shalt  }
0x59: {  	_ =	shalt  }
0x5a: {  	_ =	shalt  }
0x5b: {  	_ =	shalt  }
0x5c: {  	_ =	shalt  }
0x5d: {  	_ =	shalt  }
0x5e: {  	_ =	shalt  }
0x5f: {  	_ =	shalt  }
0x60: {  	_ =	shalt  }
0x61: {  	_ =	shalt  }
0x62: {  	_ =	shalt  }
0x63: {  	_ =	shalt  }
0x64: {  	_ =	shalt  }
0x65: {  	_ =	shalt  }
0x66: {  	_ =	shalt  }
0x67: {  	_ =	shalt  }
0x68: {  	_ =	shalt  }
0x69: {  	_ =	shalt  }
0x6a: {  	_ =	shalt  }
0x6b: {  	_ =	shalt  }
0x6c: {  	_ =	shalt  }
0x6d: {  	_ =	shalt  }
0x6e: {  	_ =	shalt  }
0x6f: {  	_ =	shalt  }
0x70: {  	_ =	shalt  }
0x71: {  	_ =	shalt  }
0x72: {  	_ =	shalt  }
0x73: {  	_ =	shalt  }
0x74: {  	_ =	shalt  }
0x75: {  	_ =	shalt  }
0x76: {  	_ =	shalt  }
0x77: {  	_ =	shalt  }
0x78: {  	_ =	shalt  }
0x79: {  	_ =	shalt  }
0x7a: {  	_ =	shalt  }
0x7b: {  	_ =	shalt  }
0x7c: {  	_ =	shalt  }
0x7d: {  	_ =	shalt  }
0x7e: {  	_ =	shalt  }
0x7f: {  	_ =	shalt  }
0x80: {  	_ =	shalt  }
0x81: {  	_ =	shalt  }
0x82: {  	_ =	shalt  }
0x83: {  	_ =	shalt  }
0x84: {  	_ =	shalt  }
0x85: {  	_ =	shalt  }
0x86: {  	_ =	shalt  }
0x87: {  	_ =	shalt  }
.Lfunc_end0:
.L_simem_size_0:
called_computation_lowered:
.L_overlay_start_0:
0x88: {  	s2 =	sld [smem:$0x3FD9]  }
0x89: {  	s3 =	sld [smem:$0x3FFE];
	_ =	sdelay $0x1  }
0x8a: {  	s1 =	srdreg.scid  }
0x8b: {  	s0 =	sand.u32 $0x1, s1  }
0x8c: {  	s16 =	sshll.u32 s0, $0xA;
	s2 =	sadd.s32 s3, s2  }
0x8d: {  	s2 =	sadd.s32 s2, s16  }
0x8e: {  	[smem:$0x3FC6] =	sst s2  }
0x8f: {  	_ = 	snop  }
0x90: {  	(tm) =	ssettm $0x1  }
0x91: {  	s17 =	sld [smem:$0x3FFB];
	_ =	sdelay $0x3  }
0x92: {  	_ =	strace s17  }
0x93: {  	s2 =	sld [smem:$0x3FFC];
	_ =	sdelay $0x3  }
0x94: {  	_ =	strace s2  }
0x95: {  	s2 =	sld [smem:$0x3FFD];
	_ =	sdelay $0x3  }
0x96: {  	_ =	strace s2  }
0x97: {  	_ =	strace $0x8FFFFFFF  }
0x98: {  	s18 =	sld [smem:$0x3FDB];
	_ =	sdelay $0x1  }
0x99: {  	s19 =	simm.s32 $_scs_section_size  }
0x9a: {  	s4 =	simm.s32 $_size__tile_overlayer_lowered;
	s5 =	simm.s32 $_tile_overlayer_lowered  }
0x9b: {  	s22 =	simm.s32 $0x1BFF;
	s21 =	sshll.u32 s5, $0x1;
	s2 =	sadd.s32 s19, s18  }
0x9c: {  	s6 =	simm.s32 $0x0;
	s20 =	sshll.u32 s4, $0x1;
	s4 =	sadd.s32 s21, s2  }
0x9d: {  	[timem:s6], [sflag:s22] =	dma.local [hbm:s4], s20  }
0x9e: {  	_ =	swait.ge [sflag:s22], s20  }
0x9f: {  	s3 =	ssub.s32 $0x0, s20;
	[sflag:s22] =	ssyncset.done $0x0  }
0xa0: {  	[sflag:s22] =	ssyncadd.s32 s3;
	_ =	sdelay $0x1  }
0xa1: {  	s23 =	simm.s32 $0x1B8B  }
0xa2: {  	_ =	swait.ge [sflag:s23], $0x1  }
0xa3: {  	[sflag:s23] =	ssyncset.done $0x0  }
0xa4: {  	s25 =	simm.s32 $0x1B8E;
	s24 =	sld [smem:$0x3FFE];
	[sflag:s23] =	ssyncadd.s32 $0xFFFFFFFF  }
0xa5: {  	s26 =	simm.s32 $execute0_lowered;
	[smem:$0x3FD2] =	sst s25  }
0xa6: {  	s4 =	sshll.u32 s26, $0x1;
	_ =	strace $0x80000046;
	[dreg:$0x1] =	wrdreg $0xFFFFFFFF  }
0xa7: {  	s28 =	simm.s32 $_size_execute0_lowered;
	s2 =	sadd.s32 s2, s4;
	[dreg:$0x0] =	wrdreg $0x0  }
0xa8: {  	s4 =	sshll.u32 s28, $0x1;
	[dreg:$0x2] =	wrdreg s2  }
0xa9: {  	[dreg:$0x3] =	wrdreg s4  }
0xaa: {  	[dreg:$0x4] =	wrdreg $0xC0  }
0xab: {  	_ =	task [dreg:s6], $0x5FFFF  }
0xac: {  	[dreg:$0x1] =	wrdreg $0xFFFFFFFF  }
0xad: {  	[dreg:$0x0] =	wrdreg $0x60  }
0xae: {  	[dreg:$0x2] =	wrdreg s24  }
0xaf: {  	[dreg:$0x3] =	wrdreg $0x9  }
0xb0: {  	_ =	task.clear_ibuf [dreg:s6], $0x4FFFF;
	_ =	strace $0x90000046  }
0xb1: {  	s29 =	simm.s32 $0x9;
	_ =	strace $0x80000048  }
0xb2: {  	_ =	swait.ge [sflag:s29], $0x1  }
0xb3: {  	[sflag:s29] =	ssyncadd.s32 $0xFFFFFFFF  }
0xb4: {  	_ =	strace $0x90000048  }
0xb5: {  	_ =	sfence  }
0xb6: {  	s30 =	sld [smem:$0x0];
	_ =	sdelay $0x2  }
0xb7: {  	s31 =	sshll.u32 s1, $0xD;
	s1 =	sshrl.u32 s1, $0x2  }
0xb8: {  	s3 =	sand.u32 $0x4000, s31;
	s1 =	sadd.s32 s1, s30  }
0xb9: {  	s0 =	sor.u32 s3, s0;
	s1 =	sshll.u32 s1, $0x11  }
0xba: {  	s0 =	sor.u32 s1, s0  }
0xbb: {  	s0 =	sadd.s32 $0x8F2B, s0  }
0xbc: {  	[sflag:s0] =	ssyncadd.remote.s32 $0x1  }
0xbd: {  	_ =	sfence.sel $0xFFFF  }
0xbe: {  	[dreg:$0x0] =	wrdreg $0xFFFFFFFF;
	(pc) =	sbr.abs _section_cstart, $3  }
0xbf: {  	[dreg:$0x1] =	wrdreg $0xFFFFFFFF  }
0xc0: {  	_ =	task.clear_ibuf [dreg:s6], $0x2FFFF;
	_ =	strace $0x9FFFFFFF  }
0xc1: {  	(tm) =	ssettm $0x7FFFFFFF  }
tec
execute0_lowered:
.L_overlay_start_1:
0x0: {  	(tag) =	ssettag $0x1  }
0x1: {  	s0 =	srdreg.scid  }
0x2: {  	s6 =	stileid.u32;
	s1 =	rddreg [dreg:$0x0];
	s7 =	simm.s32 $0x0  }
0x3: {  	s0 =	sand.u32 $0x1, s0;
	s2 =	sshll.u32 s6, $0x1;
	[smem:$0x7FF] =	sst s7  }
0x4: {  	s5 =	sadd.s32 $0x3000, s1;
	s6 =	sshll.u32 s6, $0xC;
	s8 =	sadd.s32 $0x4400, s1  }
0x5: {  	s2 =	sor.u32 s0, s2;
	_ =	strace $0x80000047;
	[dreg:$0x17] =	wrdreg s5  }
0x6: {  	[dreg:$0x18] =	wrdreg s8;
	s0 =	ssub.s32 $0x2, s0;
	s3 =	sshll.u32 s2, $0x7  }
0x7: {  	s28 =	sshll.u32 s2, $0x5;
	s2 =	sshll.u32 s2, $0xC;
	s29 =	sshrl.u32 s0, $0x1  }
0x8: {  	s4 =	sadd.s32 s3, s1;
	s5 =	sadd.s32 s28, s1;
	s3 =	sor.u32 s6, s3  }
0x9: {  	s2 =	sadd.s32 s2, s1;
	s0 =	ssub.s32 s0, s29;
	s30 =	sadd.s32 $0x2000, s4  }
0xa: {  	s3 =	sand.u32 $0xC380, s3;
	s31 =	sadd.s32 $0x4000, s5;
	[dreg:$0x19] =	wrdreg s30  }
0xb: {  	s2 =	sadd.s32 $0x4800, s2;
	s3 =	sshrl.u32 s3, $0x3;
	[dreg:$0x1a] =	wrdreg s31  }
0xc: {  	s0 =	smax.u32 s0, $0x1;
	[dreg:$0x1b] =	wrdreg s2;
	s1 =	sadd.s32 s3, s1  }
0xd: {  	[dreg:$0x1d] =	wrdreg s0;
	s2 =	simm.s32 $0x1;
	s1 =	sadd.s32 $0x24800, s1  }
0xe: {  	v0 =	vimm.f32 $+Inf;
	s3 =	simm.s32 $0x0;
	[dreg:$0x1c] =	wrdreg s1;
	s1 =	simm.s32 $0x400  }
.LBB2_1:
0xf: {  	[dreg:$0x1e] =	wrdreg s3  }
0x10: {  	s0 =	rddreg [dreg:$0x19]  }
0x11: {  	[tilespmem:s7], [sflag:$0x1] =	stream.linear.gather [hbm4b:s0+s7], $0x400, $0x38;
	[tilespmem:$0xB500] =	vst v63  }
0x12: {  	_ =	swait.ge [sflag:s2], $0x400  }
0x13: {  	[sflag:s2] =	ssyncset.done $0x0  }
0x14: {  	s6 =	rddreg [dreg:$0x17];
	[sflag:s2] =	ssyncadd.s32 $0xFFFFFC00  }
0x15: {  	[tilespmem:s1], [sflag:$0x1] =	stream.linear.gather [hbm4b:s6+s7], $0x2000, $0x38;
	[tilespmem:$0xB500] =	vst v63  }
0x16: {  	_ =	swait.ge [sflag:s2], $0x2000  }
0x17: {  	[sflag:s2] =	ssyncset.done $0x0  }
0x18: {  	s9 =	simm.s32 $0x2400;
	s8 =	rddreg [dreg:$0x1a];
	[sflag:s2] =	ssyncadd.s32 $0xFFFFE000  }
0x19: {  	[tilespmem:s9], [sflag:$0x1] =	stream.linear.gather [hbm4b:s8+s7], $0x100, $0x38;
	[tilespmem:$0xB500] =	vst v63  }
0x1a: {  	_ =	swait.ge [sflag:s2], $0x100  }
0x1b: {  	[sflag:s2] =	ssyncset.done $0x0  }
0x1c: {  	s11 =	simm.s32 $0x2500;
	s10 =	rddreg [dreg:$0x18];
	[sflag:s2] =	ssyncadd.s32 $0xFFFFFF00  }
0x1d: {  	[tilespmem:s11], [sflag:$0x1] =	stream.linear.gather [hbm4b:s10+s7], $0x800, $0x38;
	[tilespmem:$0xB500] =	vst v63  }
0x1e: {  	_ =	swait.ge [sflag:s2], $0x800  }
0x1f: {  	s12 =	sand.u32 $0x70, s7;
	s13 =	sand.u32 $0x200, s7;
	[sflag:s2] =	ssyncset.done $0x0  }
0x20: {  	s18 =	sor.u32 s12, s13;
	[sflag:s2] =	ssyncadd.s32 $0xFFFFF800  }
0x21: {  	v2 =	vld [tilespmem:s18+$0x0];
	_ =	sdelay $0x1  }
0x22: {  	v4 =	vld [tilespmem:s18+$0x100];
	_ =	sdelay $0x1  }
0x23: {  	s14 =	sor.u32 s13, s7  }
0x24: {  	s0 =	sor.u32 $0x80, s14;
	(v2sf) =	vpush v2, $0x1  }
0x25: {  	s15 =	simm.s32 $0x0;
	v3 =	vld [tilespmem:s0+$0x0];
	(v2sf) =	vpush v2, $0x0  }
0x26: {  	v1 =	vld [tilespmem:s15+$0x2400];
	(v2sf) =	vpush v4, $0x2  }
0x27: {  	(v2sf) =	vpush v4, $0x1  }
0x28: {  	(v2sf) =	vpush v4, $0x0  }
0x29: {  	(v2sf) =	vpush v2, $0x2  }
0x2a: {  	(v2sf) =	vpush v3, $0x1  }
0x2b: {  	(v2sf) =	vpush v1, $0x0  }
0x2c: {  	(v2sf) =	vpush v4, $0x3  }
0x2d: {  	(v2sf) =	vpush v4, $0x4  }
0x2e: {  	(v2sf) =	vpush v3, $0x2  }
0x2f: {  	(v2sf) =	vpush v4, $0x5  }
0x30: {  	(v2sf) =	vpush v2, $0x3  }
0x31: {  	(v2sf) =	vpush v2, $0x4  }
0x32: {  	(v2sf) =	vpush v2, $0x5  }
0x33: {  	s16 =	spop (v2sf);
	(v2sf) =	vpush v4, $0x6  }
0x34: {  	s29 =	spop (v2sf);
	(v2sf) =	vpush v2, $0x6  }
0x35: {  	s12 =	spop (v2sf);
	(v2sf) =	vpush v2, $0xB  }
0x36: {  	s3 =	spop (v2sf);
	(v2sf) =	vpush v2, $0x8  }
0x37: {  	s19 =	spop (v2sf)  }
0x38: {  	s17 =	spop (v2sf)  }
0x39: {  	(v2sf) =	vpush v2, $0x7;
	s20 =	spop (v2sf)  }
0x3a: {  	(v2sf) =	vpush v3, $0x0;
	s28 =	spop (v2sf)  }
0x3b: {  	s22 =	sor.u32 $0x81, s18;
	s26 =	sor.u32 $0x101, s18;
	(v2sf) =	vpush v4, $0x7;
	s13 =	spop (v2sf)  }
0x3c: {  	s24 =	sor.u32 $0x102, s18;
	s31 =	sor.u32 $0x103, s18;
	(v2sf) =	vpush v4, $0x8;
	s10 =	spop (v2sf)  }
0x3d: {  	s23 =	sor.u32 $0x82, s18;
	s1 =	sor.u32 $0x104, s18;
	(v2sf) =	vpush v4, $0x9;
	s21 =	spop (v2sf)  }
0x3e: {  	s6 =	sor.u32 $0x105, s18;
	[dreg:$0x6] =	wrdreg s0;
	(v2sf) =	vpush v3, $0x3;
	s14 =	spop (v2sf)  }
0x3f: {  	s9 =	sor.u32 $0x100, s18;
	[dreg:$0x8] =	wrdreg s22;
	(v2sf) =	vpush v2, $0x9;
	s8 =	spop (v2sf)  }
0x40: {  	s11 =	sor.u32 $0x180, s18;
	[dreg:$0x11] =	wrdreg s23;
	(v2sf) =	vpush v4, $0xA;
	s15 =	spop (v2sf)  }
0x41: {  	s22 =	sor.u32 $0x4, s18;
	[dreg:$0x12] =	wrdreg s16;
	(v2sf) =	vpush v3, $0x4;
	s2 =	spop (v2sf)  }
0x42: {  	s23 =	simm.s32 $0x0;
	[dreg:$0x14] =	wrdreg s17;
	(v2sf) =	vpush v3, $0x5;
	s5 =	spop (v2sf)  }
0x43: {  	s16 =	sor.u32 $0x3, s18;
	[dreg:$0xc] =	wrdreg s20;
	(v2sf) =	vpush v4, $0xB;
	s4 =	spop (v2sf)  }
0x44: {  	s17 =	sor.u32 $0x2, s18;
	[dreg:$0xe] =	wrdreg s21;
	(v2sf) =	vpush v3, $0xF;
	s25 =	spop (v2sf)  }
0x45: {  	s20 =	sor.u32 $0x1, s18;
	(v2sf) =	vpush v3, $0xE;
	[dreg:$0x2] =	wrdreg s25;
	s30 =	spop (v2sf)  }
0x46: {  	s21 =	simm.s32 $0x10;
	(v2sf) =	vpush v2, $0xA;
	s25 =	sor.u32 $0x106, s18;
	[dreg:$0x3] =	wrdreg s30  }
.LBB2_2:
0x47: {  	[smem:s18] =	sst s29  }
0x48: {  	s7 =	smov.u32 s21;
	s29 =	rddreg [dreg:$0x6]  }
0x49: {  	s0 =	spop (v2sf);
	[dreg:$0x16] =	wrdreg s7  }
0x4a: {  	[dreg:$0x15] =	wrdreg s0;
	s30 =	spop (v2sf)  }
0x4b: {  	[smem:s29] =	sst s30  }
0x4c: {  	[smem:s9] =	sst s19;
	s19 =	sor.u32 $0x8F, s18  }
0x4d: {  	[dreg:$0x4] =	wrdreg s19  }
0x4e: {  	[smem:s11] =	sst s28  }
0x4f: {  	s19 =	sor.u32 $0x18F, s18;
	[smem:s26] =	sst s3  }
0x50: {  	s11 =	sor.u32 $0x18D, s18;
	[dreg:$0x5] =	wrdreg s19  }
0x51: {  	[dreg:$0x9] =	wrdreg s11  }
0x52: {  	s26 =	sor.u32 $0x8C, s18;
	[smem:s24] =	sst s12  }
0x53: {  	s19 =	sor.u32 $0x18E, s18;
	[dreg:$0xf] =	wrdreg s26  }
0x54: {  	s12 =	sor.u32 $0x8E, s18;
	[dreg:$0x7] =	wrdreg s19  }
0x55: {  	[dreg:$0xa] =	wrdreg s12  }
0x56: {  	s24 =	sor.u32 $0x8D, s18;
	s19 =	rddreg [dreg:$0x12]  }
0x57: {  	[dreg:$0xd] =	wrdreg s24  }
0x58: {  	[smem:s31] =	sst s13  }
0x59: {  	(v2sf) =	vpush v3, $0xD;
	s13 =	rddreg [dreg:$0x14]  }
0x5a: {  	(v2sf) =	vpush v2, $0xC;
	[smem:s20] =	sst s19  }
0x5b: {  	(v2sf) =	vpush v3, $0x6;
	s0 =	spop (v2sf);
	[smem:s1] =	sst s10  }
0x5c: {  	s7 =	spop (v2sf);
	(v2sf) =	vpush v1, $0xF;
	[smem:s6] =	sst s14  }
0x5d: {  	s29 =	spop (v2sf);
	(v2sf) =	vpush v3, $0xC;
	[smem:s17] =	sst s13  }
0x5e: {  	(v2sf) =	vpush v2, $0xF;
	s28 =	spop (v2sf);
	[smem:s16] =	sst s8  }
0x5f: {  	(v2sf) =	vpush v2, $0xE;
	s3 =	spop (v2sf);
	[smem:s25] =	sst s5  }
0x60: {  	s24 =	sor.u32 $0x107, s18;
	(v2sf) =	vpush v1, $0x1;
	s9 =	spop (v2sf);
	[smem:s22] =	sst s15  }
0x61: {  	(v2sf) =	vpush v1, $0xE;
	s11 =	spop (v2sf);
	[smem:s24] =	sst s0  }
0x62: {  	s19 =	spop (v2sf);
	s25 =	sor.u32 $0x5, s18;
	s22 =	rddreg [dreg:$0xc]  }
0x63: {  	s5 =	sor.u32 $0x108, s18;
	s1 =	spop (v2sf);
	[smem:s25] =	sst s2  }
0x64: {  	s12 =	spop (v2sf);
	[smem:s5] =	sst s7  }
0x65: {  	s26 =	sor.u32 $0x6, s18;
	[dreg:$0xb] =	wrdreg s12  }
0x66: {  	(v2sf) =	vpush v1, $0xD;
	s7 =	sor.u32 $0x109, s18;
	s20 =	spop (v2sf);
	[smem:s26] =	sst s4  }
0x67: {  	(v2sf) =	vpush v3, $0x8;
	[smem:s7] =	sst s29;
	s30 =	spop (v2sf)  }
0x68: {  	(v2sf) =	vpush v3, $0x7;
	s12 =	rddreg [dreg:$0x8];
	s15 =	spop (v2sf)  }
0x69: {  	[dreg:$0x10] =	wrdreg s20;
	s6 =	spop (v2sf)  }
0x6a: {  	[smem:s12] =	sst s22;
	s0 =	spop (v2sf)  }
0x6b: {  	s12 =	rddreg [dreg:$0xe];
	(v2sf) =	vpush v1, $0x2;
	s25 =	spop (v2sf)  }
0x6c: {  	s22 =	rddreg [dreg:$0x11];
	(v2sf) =	vpush v1, $0x3;
	s8 =	spop (v2sf)  }
0x6d: {  	[smem:s22] =	sst s12;
	s12 =	sor.u32 $0x10A, s18;
	(v2sf) =	vpush v1, $0x4;
	s10 =	spop (v2sf)  }
0x6e: {  	[smem:s12] =	sst s9;
	s12 =	sor.u32 $0x10B, s18;
	(v2sf) =	vpush v1, $0x5;
	s2 =	spop (v2sf)  }
0x6f: {  	s24 =	sor.u32 $0x181, s18;
	[smem:s12] =	sst s1;
	(v2sf) =	vpush v1, $0x6;
	s26 =	spop (v2sf)  }
0x70: {  	[smem:s24] =	sst s26;
	s7 =	spop (v2sf)  }
0x71: {  	s24 =	sor.u32 $0x83, s18;
	[dreg:$0x13] =	wrdreg s7  }
0x72: {  	(v2sf) =	vpush v1, $0x7;
	s26 =	sor.u32 $0x84, s18;
	[smem:s24] =	sst s28  }
0x73: {  	(v2sf) =	vpush v1, $0x8;
	[smem:s26] =	sst s11  }
0x74: {  	s23 =	sadd.s32 $0x40, s23;
	s22 =	sor.u32 $0x85, s18;
	(v2sf) =	vpush v4, $0xC;
	s26 =	rddreg [dreg:$0x16]  }
0x75: {  	s4 =	spop (v2sf);
	s24 =	sor.u32 $0x86, s18;
	[smem:s22] =	sst s19  }
0x76: {  	(v2sf) =	vpush v3, $0xB;
	s11 =	sor.u32 $0x88, s18;
	s19 =	spop (v2sf);
	[smem:s24] =	sst s0  }
0x77: {  	(v2sf) =	vpush v4, $0xD;
	s0 =	sor.u32 $0x87, s18;
	s7 =	spop (v2sf);
	s24 =	sand.u32 $0x200, s23  }
0x78: {  	s22 =	sand.u32 $0x70, s26;
	(v2sf) =	vpush v3, $0xA;
	[smem:s0] =	sst s7;
	s26 =	sor.u32 s24, s26  }
0x79: {  	(v2sf) =	vpush v4, $0xE;
	s0 =	sor.u32 s22, s24;
	[smem:s11] =	sst s19;
	s7 =	sor.u32 $0x80, s26  }
0x7a: {  	(v2sf) =	vpush v4, $0xF;
	s19 =	sor.u32 $0x182, s18;
	[dreg:$0x6] =	wrdreg s7;
	s22 =	spop (v2sf)  }
0x7b: {  	s24 =	sor.u32 $0x183, s18;
	[smem:s19] =	sst s22;
	s26 =	spop (v2sf)  }
0x7c: {  	(v2sf) =	vpush v3, $0x9;
	v3 =	vld [tilespmem:s7+$0x0];
	s7 =	sor.u32 $0x184, s18;
	[smem:s24] =	sst s26;
	s9 =	spop (v2sf)  }
0x7d: {  	s11 =	sor.u32 $0x185, s18;
	[smem:s7] =	sst s9;
	s12 =	spop (v2sf)  }
0x7e: {  	s19 =	sor.u32 $0x186, s18;
	[smem:s11] =	sst s12;
	s22 =	spop (v2sf)  }
0x7f: {  	[smem:s19] =	sst s22  }
0x80: {  	(v2sf) =	vpush v1, $0x9;
	s12 =	sor.u32 $0x7, s18;
	s19 =	rddreg [dreg:$0x15]  }
0x81: {  	s5 =	sor.u32 $0x187, s18;
	s26 =	spop (v2sf);
	[smem:s12] =	sst s19  }
0x82: {  	[smem:s5] =	sst s26;
	s5 =	sor.u32 $0x188, s18;
	s7 =	spop (v2sf)  }
0x83: {  	(v2sf) =	vpush v1, $0xC;
	s9 =	sor.u32 $0x10C, s18;
	[smem:s5] =	sst s7;
	s11 =	spop (v2sf)  }
0x84: {  	(v2sf) =	vpush v2, $0xD;
	s24 =	sshra.s32 s23, $0x2;
	[smem:s9] =	sst s11  }
0x85: {  	(v2sf) =	vpush v1, $0xB;
	s26 =	sor.u32 $0x8, s18;
	s1 =	spop (v2sf);
	s11 =	rddreg [dreg:$0x3]  }
0x86: {  	(v2sf) =	vpush v1, $0xA;
	v1 =	vld [tilespmem:s24+$0x2400];
	s22 =	sor.u32 $0x10D, s18;
	s24 =	spop (v2sf);
	[smem:s26] =	sst s11  }
0x87: {  	s26 =	sor.u32 $0x9, s18;
	[smem:s22] =	sst s24;
	s5 =	spop (v2sf)  }
0x88: {  	v5 =	vld [tilespmem:s0+$0x0];
	s12 =	sor.u32 $0x10E, s18;
	[smem:s26] =	sst s3;
	s19 =	spop (v2sf)  }
0x89: {  	s22 =	sor.u32 $0x10F, s18;
	[smem:s12] =	sst s19;
	s24 =	spop (v2sf)  }
0x8a: {  	s12 =	sor.u32 $0xA, s18;
	[smem:s22] =	sst s24  }
0x8b: {  	[smem:s12] =	sst s30  }
0x8c: {  	s19 =	sor.u32 $0xB, s18;
	s24 =	rddreg [dreg:$0x2]  }
0x8d: {  	s20 =	sor.u32 $0x89, s18;
	v4 =	vld [tilespmem:s0+$0x100];
	(v2sf) =	vpush v5, $0x1;
	s7 =	spop (v2sf);
	[smem:s19] =	sst s24  }
0x8e: {  	[smem:s20] =	sst s7  }
0x8f: {  	s9 =	sor.u32 $0x189, s18;
	s11 =	spop (v2sf);
	s7 =	rddreg [dreg:$0xf]  }
0x90: {  	v2 =	vmov v5;
	s26 =	sor.u32 $0xC, s18;
	[smem:s9] =	sst s11  }
0x91: {  	s17 =	sor.u32 $0x8A, s18;
	(v2sf) =	vpush v2, $0x0;
	[smem:s26] =	sst s6  }
0x92: {  	s13 =	sor.u32 $0x8B, s18;
	(v2sf) =	vpush v4, $0x2;
	s22 =	spop (v2sf);
	[smem:s17] =	sst s5  }
0x93: {  	(v2sf) =	vpush v4, $0x1;
	s6 =	sor.u32 $0xD, s18;
	s9 =	spop (v2sf);
	[smem:s13] =	sst s1  }
0x94: {  	s31 =	sor.u32 $0xE, s18;
	(v2sf) =	vpush v4, $0x0;
	[smem:s6] =	sst s9  }
0x95: {  	s14 =	sor.u32 $0x18C, s18;
	s16 =	sor.u32 $0x18B, s18;
	(v2sf) =	vpush v2, $0x2;
	[smem:s7] =	sst s8  }
0x96: {  	(v2sf) =	vpush v3, $0x1;
	s26 =	sor.u32 $0x18A, s18;
	s6 =	sor.u32 $0xF, s18;
	s18 =	rddreg [dreg:$0xa]  }
0x97: {  	(v2sf) =	vpush v1, $0x0;
	s9 =	sor.u32 $0x81, s0;
	s7 =	rddreg [dreg:$0x7]  }
0x98: {  	(v2sf) =	vpush v4, $0x3;
	s11 =	spop (v2sf);
	[dreg:$0x8] =	wrdreg s9  }
0x99: {  	(v2sf) =	vpush v4, $0x4;
	s19 =	spop (v2sf);
	[smem:s31] =	sst s2  }
0x9a: {  	(v2sf) =	vpush v3, $0x2;
	[smem:s26] =	sst s19  }
0x9b: {  	(v2sf) =	vpush v4, $0x5;
	[smem:s6] =	sst s10  }
0x9c: {  	(v2sf) =	vpush v2, $0x3;
	s24 =	spop (v2sf);
	s6 =	rddreg [dreg:$0x9]  }
0x9d: {  	(v2sf) =	vpush v2, $0x4;
	[dreg:$0x12] =	wrdreg s24  }
0x9e: {  	(v2sf) =	vpush v2, $0x5;
	[smem:s16] =	sst s11  }
0x9f: {  	(v2sf) =	vpush v4, $0x6;
	[smem:s14] =	sst s22  }
0xa0: {  	s29 =	spop (v2sf);
	(v2sf) =	vpush v2, $0x6;
	s16 =	sor.u32 $0x82, s0;
	s14 =	rddreg [dreg:$0xd]  }
0xa1: {  	s12 =	spop (v2sf);
	(v2sf) =	vpush v2, $0xB;
	[dreg:$0x11] =	wrdreg s16  }
0xa2: {  	s22 =	rddreg [dreg:$0x10];
	s3 =	spop (v2sf);
	(v2sf) =	vpush v2, $0x8  }
0xa3: {  	[smem:s14] =	sst s15;
	s19 =	spop (v2sf)  }
0xa4: {  	p0 =	sne.s32 s21, $0xF0;
	[smem:s6] =	sst s4;
	s17 =	spop (v2sf)  }
0xa5: {  	s21 =	sadd.s32 $0x10, s21;
	(v2sf) =	vpush v2, $0x7;
	[smem:s18] =	sst s22;
	s5 =	spop (v2sf)  }
0xa6: {  	s30 =	simm.s32 $0x0;
	s18 =	rddreg [dreg:$0x13];
	(v2sf) =	vpush v3, $0x0;
	s28 =	spop (v2sf)  }
0xa7: {  	s20 =	sor.u32 $0x1, s0;
	[smem:s7] =	sst s18;
	(v2sf) =	vpush v4, $0x7;
	s13 =	spop (v2sf)  }
0xa8: {  	s1 =	sor.u32 $0x104, s0;
	s7 =	rddreg [dreg:$0x4];
	(v2sf) =	vpush v4, $0x8;
	s10 =	spop (v2sf)  }
0xa9: {  	s9 =	sor.u32 $0x100, s0;
	s18 =	rddreg [dreg:$0xb];
	(v2sf) =	vpush v4, $0x9;
	s8 =	spop (v2sf)  }
0xaa: {  	s31 =	sor.u32 $0x103, s0;
	[dreg:$0xc] =	wrdreg s5;
	(v2sf) =	vpush v3, $0x3;
	s14 =	spop (v2sf)  }
0xab: {  	s26 =	sor.u32 $0x101, s0;
	[dreg:$0xe] =	wrdreg s8;
	(v2sf) =	vpush v2, $0x9;
	s8 =	spop (v2sf)  }
0xac: {  	s24 =	sor.u32 $0x102, s0;
	s5 =	rddreg [dreg:$0x5];
	(v2sf) =	vpush v4, $0xA;
	s15 =	spop (v2sf)  }
0xad: {  	s11 =	sor.u32 $0x180, s0;
	[smem:s5] =	sst s25;
	(v2sf) =	vpush v3, $0x4;
	s2 =	spop (v2sf)  }
.Ltmp0:
0xae: {  	s16 =	sor.u32 $0x3, s0;
	(v2sf) =	vpush v3, $0x5;
	s5 =	spop (v2sf);
	(pc) =	sbr.rel @p0 .LBB2_2-.Ltmp0, $4  }
0xaf: {  	s6 =	sor.u32 $0x105, s0;
	[dreg:$0x14] =	wrdreg s17;
	(v2sf) =	vpush v4, $0xB;
	s4 =	spop (v2sf)  }
0xb0: {  	s22 =	sor.u32 $0x4, s0;
	[smem:s7] =	sst s18;
	(v2sf) =	vpush v3, $0xF;
	s7 =	spop (v2sf)  }
0xb1: {  	s17 =	sor.u32 $0x2, s0;
	(v2sf) =	vpush v3, $0xE;
	[dreg:$0x2] =	wrdreg s7;
	s7 =	spop (v2sf)  }
0xb2: {  	s18 =	smov.u32 s0;
	s25 =	sor.u32 $0x106, s0;
	(v2sf) =	vpush v2, $0xA;
	[dreg:$0x3] =	wrdreg s7  }
0xb3: {  	_ = 	snop  }
0xb4: {  	[smem:s18] =	sst s29;
	s21 =	spop (v2sf)  }
0xb5: {  	s23 =	rddreg [dreg:$0x6];
	s0 =	spop (v2sf)  }
0xb6: {  	[smem:s23] =	sst s0  }
0xb7: {  	[smem:s9] =	sst s19  }
0xb8: {  	[smem:s11] =	sst s28  }
0xb9: {  	[smem:s26] =	sst s3  }
0xba: {  	(v2sf) =	vpush v3, $0xD;
	[smem:s24] =	sst s12  }
0xbb: {  	(v2sf) =	vpush v2, $0xC;
	s12 =	rddreg [dreg:$0x12]  }
0xbc: {  	(v2sf) =	vpush v3, $0x6;
	[smem:s20] =	sst s12  }
0xbd: {  	(v2sf) =	vpush v1, $0xF;
	s7 =	spop (v2sf);
	[smem:s31] =	sst s13  }
0xbe: {  	s23 =	spop (v2sf);
	s31 =	rddreg [dreg:$0xc]  }
0xbf: {  	(v2sf) =	vpush v3, $0xC;
	s29 =	spop (v2sf);
	[smem:s1] =	sst s10  }
0xc0: {  	(v2sf) =	vpush v2, $0xF;
	s11 =	spop (v2sf);
	[smem:s6] =	sst s14  }
0xc1: {  	(v2sf) =	vpush v2, $0xE;
	s9 =	spop (v2sf);
	s14 =	rddreg [dreg:$0x14]  }
0xc2: {  	(v2sf) =	vpush v1, $0x1;
	s19 =	spop (v2sf);
	[smem:s17] =	sst s14  }
0xc3: {  	s12 =	spop (v2sf);
	[smem:s25] =	sst s5  }
0xc4: {  	(v2sf) =	vpush v1, $0xE;
	s20 =	spop (v2sf);
	s17 =	rddreg [dreg:$0xe]  }
0xc5: {  	(v2sf) =	vpush v1, $0xD;
	s13 =	spop (v2sf);
	[smem:s16] =	sst s8  }
0xc6: {  	(v2sf) =	vpush v3, $0x8;
	s0 =	spop (v2sf);
	[smem:s22] =	sst s15;
	s22 =	sor.u32 $0x107, s18  }
0xc7: {  	s24 =	sor.u32 $0x5, s18;
	(v2sf) =	vpush v3, $0x7;
	s3 =	spop (v2sf);
	[smem:s22] =	sst s7  }
0xc8: {  	[smem:s24] =	sst s2;
	s8 =	spop (v2sf)  }
0xc9: {  	s25 =	sor.u32 $0x6, s18;
	(v2sf) =	vpush v1, $0x2;
	s22 =	rddreg [dreg:$0x11];
	s6 =	spop (v2sf)  }
0xca: {  	s26 =	sor.u32 $0x108, s18;
	[smem:s25] =	sst s4;
	s5 =	spop (v2sf)  }
0xcb: {  	s28 =	sor.u32 $0x109, s18;
	[smem:s26] =	sst s23;
	s14 =	spop (v2sf);
	(v2sf) =	vpush v1, $0x3  }
0xcc: {  	[smem:s28] =	sst s29;
	s1 =	spop (v2sf);
	(v2sf) =	vpush v1, $0x4  }
0xcd: {  	s29 =	rddreg [dreg:$0x8]  }
0xce: {  	[smem:s29] =	sst s31;
	s2 =	spop (v2sf);
	(v2sf) =	vpush v1, $0x5  }
0xcf: {  	s23 =	sor.u32 $0x83, s18;
	[smem:s22] =	sst s17;
	s4 =	spop (v2sf)  }
0xd0: {  	s24 =	sor.u32 $0x84, s18;
	[smem:s23] =	sst s11;
	(v2sf) =	vpush v1, $0x6;
	s10 =	spop (v2sf)  }
0xd1: {  	s25 =	sor.u32 $0x85, s18;
	[smem:s24] =	sst s12;
	s16 =	spop (v2sf);
	(v2sf) =	vpush v1, $0x7  }
0xd2: {  	s26 =	sor.u32 $0x86, s18;
	[smem:s25] =	sst s20;
	(v2sf) =	vpush v1, $0x8  }
0xd3: {  	s15 =	sor.u32 $0x181, s18;
	[smem:s26] =	sst s14;
	s7 =	spop (v2sf);
	(v2sf) =	vpush v4, $0xC  }
0xd4: {  	[smem:s15] =	sst s16;
	s16 =	sor.u32 $0x10A, s18;
	s11 =	spop (v2sf)  }
0xd5: {  	s17 =	sor.u32 $0x10B, s18;
	[smem:s16] =	sst s19;
	(v2sf) =	vpush v3, $0xB;
	s28 =	spop (v2sf)  }
0xd6: {  	s29 =	sor.u32 $0x87, s18;
	[smem:s17] =	sst s13;
	(v2sf) =	vpush v4, $0xD;
	s31 =	spop (v2sf)  }
0xd7: {  	s14 =	sor.u32 $0x88, s18;
	[smem:s29] =	sst s31  }
0xd8: {  	s19 =	sor.u32 $0x182, s18;
	(v2sf) =	vpush v3, $0xA;
	[smem:s14] =	sst s28;
	s20 =	spop (v2sf)  }
0xd9: {  	(v2sf) =	vpush v4, $0xE;
	[smem:s19] =	sst s20;
	s20 =	sor.u32 $0x7, s18  }
0xda: {  	s22 =	sor.u32 $0x183, s18;
	[smem:s20] =	sst s21;
	s23 =	spop (v2sf)  }
0xdb: {  	s24 =	sor.u32 $0x184, s18;
	(v2sf) =	vpush v4, $0xF;
	[smem:s22] =	sst s23;
	s25 =	spop (v2sf)  }
0xdc: {  	(v2sf) =	vpush v3, $0x9;
	[smem:s24] =	sst s25  }
0xdd: {  	s26 =	sor.u32 $0x185, s18;
	(v2sf) =	vpush v1, $0x9;
	s28 =	spop (v2sf);
	s25 =	rddreg [dreg:$0x3]  }
0xde: {  	s24 =	sor.u32 $0x8, s18;
	[smem:s26] =	sst s28  }
0xdf: {  	s29 =	sor.u32 $0x186, s18;
	(v2sf) =	vpush v1, $0xC;
	s31 =	spop (v2sf);
	[smem:s24] =	sst s25  }
0xe0: {  	s13 =	sor.u32 $0x187, s18;
	(v2sf) =	vpush v2, $0xD;
	[smem:s29] =	sst s31;
	s14 =	spop (v2sf)  }
0xe1: {  	s15 =	sor.u32 $0x188, s18;
	[smem:s13] =	sst s14;
	s16 =	spop (v2sf)  }
0xe2: {  	s17 =	sor.u32 $0x10C, s18;
	(v2sf) =	vpush v1, $0xB;
	[smem:s15] =	sst s16;
	s19 =	spop (v2sf)  }
0xe3: {  	(v2sf) =	vpush v1, $0xA;
	s15 =	sor.u32 $0x9, s18;
	[smem:s17] =	sst s19  }
0xe4: {  	s20 =	sor.u32 $0xA, s18;
	s13 =	spop (v2sf);
	[smem:s15] =	sst s9  }
0xe5: {  	s22 =	sor.u32 $0x10D, s18;
	s23 =	spop (v2sf);
	[smem:s20] =	sst s8  }
0xe6: {  	[smem:s22] =	sst s23  }
0xe7: {  	s14 =	spop (v2sf);
	s22 =	sor.u32 $0xB, s18;
	s23 =	rddreg [dreg:$0x2]  }
0xe8: {  	s26 =	sor.u32 $0x10E, s18;
	s28 =	spop (v2sf);
	[smem:s22] =	sst s23  }
0xe9: {  	s25 =	sor.u32 $0xC, s18;
	[smem:s26] =	sst s28  }
0xea: {  	s29 =	sor.u32 $0x10F, s18;
	s31 =	spop (v2sf);
	[smem:s25] =	sst s5  }
0xeb: {  	s12 =	sor.u32 $0x89, s18;
	[smem:s29] =	sst s31;
	s16 =	spop (v2sf)  }
0xec: {  	s17 =	sor.u32 $0x189, s18;
	s19 =	spop (v2sf);
	[smem:s12] =	sst s16  }
0xed: {  	s16 =	sor.u32 $0x8A, s18;
	[smem:s17] =	sst s19  }
0xee: {  	s21 =	spop (v2sf);
	[smem:s16] =	sst s14;
	s19 =	sor.u32 $0x8B, s18  }
0xef: {  	s28 =	sor.u32 $0xD, s18;
	s24 =	spop (v2sf);
	[smem:s19] =	sst s13  }
0xf0: {  	s23 =	sor.u32 $0x8C, s18;
	[smem:s28] =	sst s24  }
0xf1: {  	s26 =	spop (v2sf);
	[smem:s23] =	sst s2;
	s24 =	sor.u32 $0x8D, s18  }
0xf2: {  	s31 =	sor.u32 $0x18A, s18;
	s29 =	spop (v2sf);
	[smem:s24] =	sst s6  }
0xf3: {  	s25 =	sor.u32 $0x8E, s18;
	[smem:s31] =	sst s29  }
0xf4: {  	s17 =	sor.u32 $0x18B, s18;
	[smem:s25] =	sst s3  }
0xf5: {  	s31 =	sor.u32 $0x8F, s18;
	[smem:s17] =	sst s26  }
0xf6: {  	s20 =	sor.u32 $0x18C, s18;
	[smem:s31] =	sst s0  }
0xf7: {  	[smem:s20] =	sst s21;
	s21 =	sor.u32 $0xE, s18  }
0xf8: {  	s26 =	sor.u32 $0x18D, s18;
	[smem:s21] =	sst s10  }
0xf9: {  	s22 =	sor.u32 $0xF, s18;
	[smem:s26] =	sst s11  }
0xfa: {  	s28 =	sor.u32 $0x18E, s18;
	[smem:s22] =	sst s4  }
0xfb: {  	s29 =	sor.u32 $0x18F, s18;
	[smem:s28] =	sst s7  }
0xfc: {  	s0 =	simm.s32 $0x200;
	[smem:s29] =	sst s1;
	s1 =	simm.s32 $0x0  }
.LBB2_4:
0xfd: {  	p0 =	sne.s32 s0, $0x1FE00;
	[tilespmem:s1+$0x2D00] =	vst v0;
	s1 =	smov.u32 s0;
	s0 =	sadd.s32 $0x200, s0  }
.Ltmp1:
0xfe: {  	(pc) =	sbr.rel @p0 .LBB2_4-.Ltmp1, $2  }
0xff: {  	_ =	sdelay $0x2  }
0x100: {  	s1 =	sshra.s32 s1, $0x2  }
0x101: {  	[tilespmem:s1+$0x2D00] =	vst v0  }
.LBB2_6:
0x102: {  	s0 =	simm.s32 $0x0;
	s1 =	simm.s32 $0x6;
	s2 =	simm.s32 $0x7  }
0x103: {  	s3 =	simm.s32 $0x4;
	s7 =	sand.u32 $0x200, s0;
	s19 =	sand.u32 $0x7E, s1  }
0x104: {  	s20 =	simm.s32 $0x5;
	s21 =	sand.u32 $0x7F, s2;
	s6 =	sor.u32 s19, s7  }
0x105: {  	s1 =	sand.u32 $0x7D, s20;
	s8 =	sor.u32 s21, s7;
	s2 =	sld [smem:s6+$0x180]  }
0x106: {  	s22 =	sand.u32 $0x7C, s3;
	s1 =	sor.u32 s1, s7;
	s9 =	sld [smem:s8+$0x180]  }
0x107: {  	s0 =	sor.u32 s22, s7;
	s10 =	sld [smem:s1+$0x180]  }
0x108: {  	s23 =	simm.s32 $0x3;
	s11 =	sld [smem:s0+$0x180]  }
0x109: {  	s3 =	sand.u32 $0x7B, s23;
	s12 =	sld [smem:s6+$0x100]  }
0x10a: {  	s5 =	simm.s32 $0x2;
	s4 =	sor.u32 s3, s7;
	s13 =	sld [smem:s8+$0x100]  }
0x10b: {  	s24 =	sand.u32 $0x7A, s5;
	s14 =	sld [smem:s4+$0x180]  }
0x10c: {  	s5 =	sor.u32 s24, s7;
	s15 =	sld [smem:s1+$0x100]  }
0x10d: {  	s16 =	sld [smem:s5+$0x180]  }
0x10e: {  	s17 =	sld [smem:s6+$0x0]  }
0x10f: {  	s21 =	sld [smem:s6+$0x80]  }
0x110: {  	s18 =	sshll.u32 s30, $0x4;
	s19 =	sshll.u32 s30, $0x6;
	s29 =	sld [smem:s8+$0x0]  }
0x111: {  	s25 =	sand.u32 $0x70, s18;
	s26 =	sand.u32 $0x1E00, s19;
	s8 =	sld [smem:s8+$0x80]  }
0x112: {  	v4 =	vld [tilespmem:s18+$0x2500];
	s24 =	sld [smem:s1+$0x0];
	s22 =	sor.u32 s25, s26  }
0x113: {  	s20 =	simm.s32 $0x1;
	s1 =	sld [smem:s1+$0x80];
	v1 =	vld [tilespmem:s22+$0x500]  }
0x114: {  	s28 =	sand.u32 $0x79, s20;
	s31 =	sld [smem:s0+$0x0];
	v6 =	vld [tilespmem:s22+$0x400]  }
0x115: {  	s6 =	sor.u32 s28, s7;
	s28 =	sld [smem:s5+$0x80];
	v5 =	vld [tilespmem:s22+$0x480]  }
0x116: {  	s3 =	simm.s32 $0x0;
	s19 =	sld [smem:s6+$0x180]  }
0x117: {  	s23 =	sand.u32 $0x78, s3;
	s25 =	sld [smem:s0+$0x80]  }
0x118: {  	v9 =	vimm.f32 $+Inf;
	s23 =	sor.u32 s23, s7;
	s26 =	sld [smem:s5+$0x0];
	v3 =	vadd.f32 s2, v4;
	v14 =	vmul.f32 s12, v1  }
0x119: {  	s7 =	sld [smem:s23+$0x180];
	v2 =	vadd.f32 s9, v4;
	v11 =	vmul.f32 s15, v1;
	v13 =	vmul.f32 s13, v1  }
0x11a: {  	v7 =	vadd.f32 s10, v4;
	s12 =	sld [smem:s4+$0x0];
	v23 =	vmul.f32 s17, v6;
	v30 =	vmul.f32 s21, v5  }
0x11b: {  	v8 =	vadd.f32 s11, v4;
	s15 =	sld [smem:s4+$0x80];
	v17 =	vmul.f32 s29, v6;
	v18 =	vmul.f32 s8, v5  }
0x11c: {  	v10 =	vadd.f32 s14, v4;
	v21 =	vmul.f32 s24, v6;
	v22 =	vmul.f32 s1, v5;
	s29 =	sld [smem:s6+$0x0]  }
0x11d: {  	v12 =	vadd.f32 s16, v4;
	v19 =	vmul.f32 s31, v6;
	v20 =	vmul.f32 s25, v5;
	s31 =	sld [smem:s23+$0x0]  }
0x11e: {  	s9 =	sld [smem:s23+$0x80];
	v15 =	vadd.f32 s19, v4;
	v24 =	vmul.f32 s26, v6;
	v26 =	vmul.f32 s28, v5  }
0x11f: {  	v16 =	vadd.f32 s7, v4;
	s7 =	sld [smem:s6+$0x80];
	v25 =	vmul.f32 s12, v6;
	v28 =	vmul.f32 s15, v5  }
0x120: {  	s2 =	simm.s32 $0x20;
	s1 =	simm.s32 $0x2F00;
	s8 =	sld [smem:s23+$0x100];
	v23 =	vadd.f32 v30, v23;
	v29 =	vmul.f32 s31, v6;
	v27 =	vmul.f32 s29, v6  }
.LBB2_7:
0x121: {  	s10 =	sadd.s32 $0xE, s3;
	s11 =	sadd.s32 $0xF, s3;
	v30 =	vmul.f32 s9, v5;
	s9 =	sld [smem:s6+$0x100];
	v21 =	vadd.f32 v22, v21;
	v17 =	vadd.f32 v18, v17  }
0x122: {  	s12 =	sadd.s32 $0xC, s3;
	s13 =	sadd.s32 $0xD, s3;
	v22 =	vadd.f32 v28, v25;
	v19 =	vadd.f32 v20, v19;
	v18 =	vmul.f32 s7, v5;
	s5 =	sld [smem:s5+$0x100]  }
0x123: {  	v24 =	vadd.f32 v26, v24;
	s7 =	sand.u32 $0x200, s2;
	s6 =	sand.u32 $0x7E, s10;
	v20 =	vadd.f32 v30, v29;
	v25 =	vmul.f32 s8, v1;
	s4 =	sld [smem:s4+$0x100]  }
0x124: {  	s10 =	sand.u32 $0x7F, s11;
	v14 =	vadd.f32 v14, v23;
	s6 =	sor.u32 s6, s7;
	v26 =	vld [tilespmem:s1+$0xFFFFFE00];
	v18 =	vadd.f32 v18, v27;
	v27 =	vmul.f32 s9, v1;
	s11 =	sld [smem:s0+$0x100]  }
0x125: {  	v13 =	vadd.f32 v13, v17;
	s0 =	sand.u32 $0x7D, s13;
	s13 =	sor.u32 s10, s7;
	s8 =	sld [smem:s6+$0x180];
	v20 =	vadd.f32 v25, v20;
	v23 =	vld [tilespmem:s1+$0xFFFFFE80];
	v25 =	vmul.f32 s5, v1  }
0x126: {  	v11 =	vadd.f32 v11, v21;
	s5 =	sand.u32 $0x7C, s12;
	s12 =	sor.u32 s0, s7;
	s9 =	sld [smem:s13+$0x180];
	v17 =	vadd.f32 v27, v18;
	v18 =	vld [tilespmem:s1+$0xFFFFFF00];
	v27 =	vmul.f32 s4, v1  }
0x127: {  	s0 =	sor.u32 s5, s7;
	s10 =	sld [smem:s12+$0x180];
	v16 =	vadd.f32 v20, v16;
	v20 =	vadd.f32 v25, v24;
	v21 =	vld [tilespmem:s1+$0xFFFFFF80];
	v24 =	vmul.f32 s11, v1  }
0x128: {  	s4 =	sadd.s32 $0xB, s3;
	s11 =	sld [smem:s0+$0x180];
	v15 =	vadd.f32 v17, v15;
	v17 =	vadd.f32 v27, v22;
	v22 =	vld [tilespmem:s1+$0x0]  }
0x129: {  	s4 =	sand.u32 $0x7B, s4;
	s15 =	sld [smem:s6+$0x100];
	v25 =	vmin.f32 v26, v16;
	v12 =	vadd.f32 v20, v12;
	v19 =	vadd.f32 v24, v19;
	v20 =	vld [tilespmem:s1+$0x80]  }
0x12a: {  	s5 =	sadd.s32 $0xA, s3;
	s4 =	sor.u32 s4, s7;
	v9 =	vmin.f32 v9, v16;
	s16 =	sld [smem:s13+$0x100];
	[tilespmem:s1+$0xFFFFFE00] =	vst v25;
	v16 =	vmin.f32 v23, v15;
	v10 =	vadd.f32 v17, v10;
	v17 =	vld [tilespmem:s1+$0x100]  }
0x12b: {  	s5 =	sand.u32 $0x7A, s5;
	v9 =	vmin.f32 v9, v15;
	s14 =	sld [smem:s4+$0x180];
	[tilespmem:s1+$0xFFFFFE80] =	vst v16;
	v15 =	vmin.f32 v18, v12;
	v8 =	vadd.f32 v19, v8;
	v16 =	vld [tilespmem:s1+$0x180]  }
0x12c: {  	v7 =	vadd.f32 v11, v7;
	s5 =	sor.u32 s5, s7;
	v9 =	vmin.f32 v9, v12;
	s19 =	sld [smem:s12+$0x100];
	[tilespmem:s1+$0xFFFFFF00] =	vst v15;
	v12 =	vmin.f32 v21, v10  }
0x12d: {  	v3 =	vadd.f32 v14, v3;
	v9 =	vmin.f32 v9, v10;
	s17 =	sld [smem:s5+$0x180];
	[tilespmem:s1+$0xFFFFFF80] =	vst v12;
	v10 =	vmin.f32 v22, v8  }
0x12e: {  	v2 =	vadd.f32 v13, v2;
	v8 =	vmin.f32 v9, v8;
	s20 =	sld [smem:s6+$0x0];
	[tilespmem:s1+$0x0] =	vst v10;
	v9 =	vmin.f32 v20, v7  }
0x12f: {  	s21 =	sadd.s32 $0x9, s3;
	v7 =	vmin.f32 v8, v7;
	s22 =	sld [smem:s6+$0x80];
	[tilespmem:s1+$0x80] =	vst v9;
	v8 =	vmin.f32 v17, v3  }
0x130: {  	s6 =	sand.u32 $0x79, s21;
	v3 =	vmin.f32 v7, v3;
	s21 =	sld [smem:s13+$0x0];
	[tilespmem:s1+$0x100] =	vst v8;
	v7 =	vmin.f32 v16, v2  }
0x131: {  	s6 =	sor.u32 s6, s7;
	v9 =	vmin.f32 v3, v2;
	s13 =	sld [smem:s13+$0x80];
	[tilespmem:s1+$0x180] =	vst v7  }
0x132: {  	s3 =	sadd.s32 $0x8, s3;
	s23 =	sld [smem:s6+$0x180]  }
0x133: {  	s24 =	sand.u32 $0x78, s3;
	p0 =	slt.u32 s3, $0xF8;
	s25 =	sld [smem:s12+$0x0]  }
0x134: {  	s24 =	sor.u32 s24, s7;
	s7 =	sld [smem:s12+$0x80]  }
0x135: {  	s12 =	sld [smem:s24+$0x180]  }
0x136: {  	s26 =	sld [smem:s0+$0x0]  }
0x137: {  	s28 =	sld [smem:s0+$0x80]  }
0x138: {  	v14 =	vmul.f32 s15, v1;
	v3 =	vadd.f32 s8, v4;
	s29 =	sld [smem:s4+$0x0]  }
0x139: {  	v13 =	vmul.f32 s16, v1;
	v11 =	vmul.f32 s19, v1;
	v2 =	vadd.f32 s9, v4;
	s8 =	sld [smem:s4+$0x80]  }
0x13a: {  	v7 =	vadd.f32 s10, v4;
	v23 =	vmul.f32 s20, v6;
	v30 =	vmul.f32 s22, v5;
	s15 =	sld [smem:s5+$0x0]  }
0x13b: {  	v8 =	vadd.f32 s11, v4;
	v17 =	vmul.f32 s21, v6;
	v18 =	vmul.f32 s13, v5;
	s10 =	sld [smem:s5+$0x80]  }
.Ltmp2:
0x13c: {  	v10 =	vadd.f32 s14, v4;
	v21 =	vmul.f32 s25, v6;
	v22 =	vmul.f32 s7, v5;
	s11 =	sld [smem:s6+$0x0];
	(pc) =	sbr.rel @p0 .LBB2_7-.Ltmp2, $4  }
0x13d: {  	v12 =	vadd.f32 s17, v4;
	v19 =	vmul.f32 s26, v6;
	v20 =	vmul.f32 s28, v5;
	s13 =	sld [smem:s24+$0x0]  }
0x13e: {  	v15 =	vadd.f32 s23, v4;
	v25 =	vmul.f32 s29, v6;
	v28 =	vmul.f32 s8, v5;
	s9 =	sld [smem:s24+$0x80]  }
0x13f: {  	v16 =	vadd.f32 s12, v4;
	v24 =	vmul.f32 s15, v6;
	v26 =	vmul.f32 s10, v5;
	s7 =	sld [smem:s6+$0x80]  }
0x140: {  	s2 =	sadd.s32 $0x20, s2;
	s1 =	sadd.s32 $0x400, s1;
	v23 =	vadd.f32 v30, v23;
	v27 =	vmul.f32 s11, v6;
	v29 =	vmul.f32 s13, v6;
	s8 =	sld [smem:s24+$0x100]  }
0x141: {  	s2 =	sld [smem:s6+$0x100];
	v6 =	vadd.f32 v22, v21;
	v17 =	vadd.f32 v18, v17  }
0x142: {  	v4 =	vmul.f32 s9, v5;
	s3 =	sld [smem:s5+$0x100];
	v41 =	vadd.f32 v28, v25;
	v19 =	vadd.f32 v20, v19  }
0x143: {  	v43 =	vadd.f32 v26, v24;
	s4 =	sld [smem:s4+$0x100];
	v40 =	vmul.f32 s7, v5;
	v14 =	vadd.f32 v14, v23  }
0x144: {  	s0 =	sld [smem:s0+$0x100];
	v55 =	vld [tilespmem:s1+$0x80];
	v4 =	vadd.f32 v4, v29;
	v42 =	vmul.f32 s8, v1;
	v6 =	vadd.f32 v11, v6  }
0x145: {  	v57 =	vld [tilespmem:s1+$0x100];
	v5 =	vadd.f32 v40, v27;
	v45 =	vmul.f32 s2, v1;
	v47 =	vmul.f32 s3, v1  }
0x146: {  	v44 =	vld [tilespmem:s1+$0xFFFFFE00];
	v49 =	vmul.f32 s4, v1;
	v3 =	vadd.f32 v14, v3;
	v4 =	vadd.f32 v42, v4  }
0x147: {  	v46 =	vld [tilespmem:s1+$0xFFFFFE80];
	v1 =	vmul.f32 s0, v1;
	v6 =	vadd.f32 v6, v7;
	v5 =	vadd.f32 v45, v5  }
0x148: {  	v48 =	vld [tilespmem:s1+$0xFFFFFF00];
	v50 =	vadd.f32 v47, v43;
	v52 =	vadd.f32 v49, v41  }
0x149: {  	v51 =	vld [tilespmem:s1+$0xFFFFFF80];
	v1 =	vadd.f32 v1, v19;
	v4 =	vadd.f32 v4, v16  }
0x14a: {  	v53 =	vld [tilespmem:s1+$0x0];
	v63 =	vmin.f32 v57, v3;
	v62 =	vmin.f32 v55, v6;
	v5 =	vadd.f32 v5, v15  }
0x14b: {  	[tilespmem:s1+$0x100] =	vst v63;
	v11 =	vadd.f32 v50, v12;
	v54 =	vmin.f32 v44, v4;
	v4 =	vmin.f32 v9, v4  }
0x14c: {  	v59 =	vld [tilespmem:s1+$0x180];
	v13 =	vadd.f32 v13, v17;
	v10 =	vadd.f32 v52, v10;
	[tilespmem:s1+$0x80] =	vst v62;
	v4 =	vmin.f32 v4, v5  }
0x14d: {  	s30 =	sadd.s32 $0x1, s30;
	v1 =	vadd.f32 v1, v8;
	[tilespmem:s1+$0xFFFFFE00] =	vst v54;
	v56 =	vmin.f32 v46, v5;
	v4 =	vmin.f32 v4, v11  }
0x14e: {  	p0 =	sne.s32 s30, $0x80;
	v2 =	vadd.f32 v13, v2;
	v58 =	vmin.f32 v48, v11;
	[tilespmem:s1+$0xFFFFFE80] =	vst v56;
	v4 =	vmin.f32 v4, v10  }
.Ltmp3:
0x14f: {  	v60 =	vmin.f32 v51, v10;
	v61 =	vmin.f32 v53, v1;
	[tilespmem:s1+$0xFFFFFF00] =	vst v58;
	v1 =	vmin.f32 v4, v1;
	(pc) =	sbr.rel @p0 .LBB2_6-.Ltmp3, $4  }
0x150: {  	[tilespmem:s1+$0xFFFFFF80] =	vst v60;
	v1 =	vmin.f32 v1, v6  }
0x151: {  	[tilespmem:s1+$0x0] =	vst v61;
	v1 =	vmin.f32 v1, v3;
	v3 =	vmin.f32 v59, v2  }
0x152: {  	v1 =	vmin.f32 v1, v2;
	[tilespmem:s1+$0x180] =	vst v3  }
0x153: {  	[tilespmem:s18+$0xAD00] =	vst v1  }
0x154: {  	s7 =	simm.s32 $0x0  }
0x155: {  	s0 =	rddreg [dreg:$0x1b];
	s1 =	simm.s32 $0x2D00;
	s2 =	simm.s32 $0x1  }
0x156: {  	[hbm4b:s0+s7] =	stream.linear.scatter [tilespmem:s1], [sflag:$0x1], $0x8000, $0x38;
	[tilespmem:$0xB500] =	vst v63  }
0x157: {  	_ =	swait.ge [sflag:s2], $0x8000  }
0x158: {  	s3 =	simm.s32 $0x80;
	s4 =	simm.s32 $0xAD00;
	[sflag:s2] =	ssyncset.done $0x0  }
0x159: {  	s1 =	simm.s32 $0x400;
	s29 =	rddreg [dreg:$0x1c];
	[sflag:s2] =	ssyncadd.s32 $0xFFFF8000  }
0x15a: {  	[hbm4b:s29+s3] =	stream.strided.scatter [tilespmem:s4], [sflag:$0x1], $0x800, s1, s3, $0x38;
	[tilespmem:$0xB500] =	vst v63  }
0x15b: {  	_ =	swait.ge [sflag:s2], $0x800  }
0x15c: {  	s30 =	rddreg [dreg:$0x1e]  }
0x15d: {  	s31 =	rddreg [dreg:$0x1d];
	s3 =	sadd.s32 $0x1, s30  }
0x15e: {  	p0 =	sne.s32 s3, s31  }
.Ltmp4:
0x15f: {  	_ = 	snop;
	(pc) =	sbr.rel @p0 .LBB2_1-.Ltmp4, $3  }
0x160: {  	_ =	sdelay $0x1  }
0x161: {  	[sflag:s2] =	ssyncset.done $0x0  }
0x162: {  	[sflag:s2] =	ssyncadd.s32 $0xFFFFF800  }
0x163: {  	_ =	sfence.sel $0x180000  }
0x164: {  	[bflag:$0x0] =	sbarrier.arrive $0xFFFF  }
0x165: {  	_ =	strace $0x90000047  }
0x166: {  	s0 =	stileid.u32;
	[bflag:$0x2] =	sbarrier.arrive $0xFFFF  }
0x167: {  	p0 =	sne.s32 s0, $0x0;
	s0 =	rddreg [dreg:$0x1]  }
0x168: {  	s0 =	sadd.s32 @!p0 $0x100000, s0  }
0x169: {  	[sflag:s0] =	ssyncadd.tile.s32 @!p0 $0x1;
	_ =	shalt  }
.Lfunc_end2:
_tile_overlayer_lowered:
.L_overlay_start_2:
0x16a: {  	(tag) =	ssettag $0x2  }
0x16b: {  	s0 =	rddreg [dreg:$0x0];
	s2 =	stileid.u32  }
0x16c: {  	s1 =	rddreg [dreg:$0x1];
	p0 =	sne.s32 s2, $0x0  }
0x16d: {  	s3 =	rddreg [dreg:$0x2];
	[bflag:$0x3] =	sbarrier.arrive $0xFFFF;
	s2 =	simm.s32 @!p0 $0x1C01  }
0x16e: {  	[timem:s3], [sflag:s2] =	dma.local @!p0 [hbm:s0], s1  }
0x16f: {  	s0 =	simm.s32 @!p0 $0x1  }
0x170: {  	_ =	swait.ge @!p0 [sflag:s0], s1  }
0x171: {  	s1 =	ssub.s32 @!p0 $0x0, s1;
	[sflag:s0] =	ssyncset.done @!p0 $0x0  }
0x172: {  	[sflag:s0] =	ssyncadd.s32 @!p0 s1  }
0x173: {  	[bflag:$0x3] =	sbarrier.arrive $0xFFFF  }
0x174: {  	_ =	shalt  }

</sc_bundles>
